<compile_context>
chip_gen: v7x
topology: tpu7x:2x2x1
jax: 0.10.2.dev20260603
libtpu: 0.0.44.dev20260713+nightly
codegen_flags: <defaults>
</compile_context>

<pallas_src>
import functools

import jax
import jax.numpy as jnp
from jax import lax
from jax.experimental import pallas as pl
from jax.experimental.pallas import tpu as pltpu
from jax.experimental.pallas import tpu_sc as plsc

NC = 2
NS = 16
NW = NC * NS
C = 64
NBUF = 6


@functools.lru_cache(maxsize=None)
def _make_gather(V, D, B):
    assert B % C == 0 and B % 8 == 0
    n_chunks = B // C
    per_w = (n_chunks + NW - 1) // NW
    rounds = (per_w + 1 + NBUF - 1) // NBUF
    assert per_w >= NBUF
    mesh = plsc.VectorSubcoreMesh(core_axis_name="c", subcore_axis_name="s")

    v_blk = ((V + NS - 1) // NS + 7) // 8 * 8
    stage_blocks = []
    off = 0
    while off < V:
        stage_blocks.append((off, min(v_blk, V - off)))
        off += v_blk

    scratch = (
        [pltpu.VMEM((C,), jnp.int32) for _ in range(NBUF)]
        + [pltpu.VMEM((C, D), jnp.float32) for _ in range(NBUF)]
        + [pltpu.SemaphoreType.DMA] * (3 * NBUF)
        + [pltpu.VMEM_SHARED((V, D), jnp.float32), pltpu.SemaphoreType.DMA]
    )

    @functools.partial(
        pl.kernel,
        out_type=jax.ShapeDtypeStruct((B, D), jnp.float32),
        mesh=mesh,
        scratch_types=scratch,
    )
    def k(x_hbm, idx_hbm, out_hbm, *bufs):
        idx_v = bufs[:NBUF]
        rows = bufs[NBUF:2 * NBUF]
        idx_sem = bufs[2 * NBUF:3 * NBUF]
        g_sem = bufs[3 * NBUF:4 * NBUF]
        s_sem = bufs[4 * NBUF:5 * NBUF]
        xs = bufs[5 * NBUF]
        stage_sem = bufs[5 * NBUF + 1]
        sid = lax.axis_index("s")
        wid = sid * NC + lax.axis_index("c")

        for t, (boff, blen) in enumerate(stage_blocks):
            @pl.when(sid == t)
            def _(boff=boff, blen=blen):
                pltpu.async_copy(x_hbm.at[pl.ds(boff, blen)],
                                 xs.at[pl.ds(boff, blen)], stage_sem)

        for j in range(NBUF):
            c0 = j * NW + wid

            @pl.when(c0 < n_chunks)
            def _(j=j, c0=c0):
                pltpu.async_copy(idx_hbm.at[pl.ds(c0 * C, C)], idx_v[j],
                                 idx_sem[j])

        for t, (boff, blen) in enumerate(stage_blocks):
            @pl.when(sid == t)
            def _(boff=boff, blen=blen):
                pltpu.make_async_copy(x_hbm.at[pl.ds(boff, blen)],
                                      xs.at[pl.ds(boff, blen)],
                                      stage_sem).wait()
        plsc.subcore_barrier()

        for j in range(NBUF):
            c0 = j * NW + wid

            @pl.when(c0 < n_chunks)
            def _(j=j):
                pltpu.make_async_copy(
                    idx_hbm.at[pl.ds(0, C)], idx_v[j], idx_sem[j]
                ).wait()
                pltpu.async_copy(xs.at[idx_v[j]], rows[j], g_sem[j])

            if j >= 1:
                p = j - 1
                cp = p * NW + wid

                @pl.when(cp < n_chunks)
                def _(p=p, cp=cp):
                    pltpu.make_async_copy(
                        xs.at[idx_v[p]], rows[p], g_sem[p]
                    ).wait()
                    pltpu.async_copy(rows[p], out_hbm.at[pl.ds(cp * C, C)],
                                     s_sem[p])
                    cn = (p + NBUF) * NW + wid

                    @pl.when(cn < n_chunks)
                    def _():
                        pltpu.async_copy(idx_hbm.at[pl.ds(cn * C, C)],
                                         idx_v[p], idx_sem[p])

        def round_body(r, carry):
            for j in range(NBUF):
                i = r * NBUF + j
                c = i * NW + wid

                @pl.when(c < n_chunks)
                def _(j=j, c=c):
                    pltpu.make_async_copy(
                        rows[j], out_hbm.at[pl.ds(0, C)], s_sem[j]
                    ).wait()
                    pltpu.make_async_copy(
                        idx_hbm.at[pl.ds(0, C)], idx_v[j], idx_sem[j]
                    ).wait()
                    pltpu.async_copy(xs.at[idx_v[j]], rows[j], g_sem[j])

                p = (j - 1) % NBUF
                cp = (i - 1) * NW + wid

                @pl.when(cp < n_chunks)
                def _(p=p, i=i, cp=cp):
                    pltpu.make_async_copy(
                        xs.at[idx_v[p]], rows[p], g_sem[p]
                    ).wait()
                    pltpu.async_copy(rows[p], out_hbm.at[pl.ds(cp * C, C)],
                                     s_sem[p])
                    cn = (i - 1 + NBUF) * NW + wid

                    @pl.when(cn < n_chunks)
                    def _():
                        pltpu.async_copy(idx_hbm.at[pl.ds(cn * C, C)],
                                         idx_v[p], idx_sem[p])

            return carry

        lax.fori_loop(1, rounds, round_body, 0)

        for j in range(NBUF):
            pltpu.make_async_copy(
                rows[j], out_hbm.at[pl.ds(0, C)], s_sem[j]
            ).wait()

    return k


def kernel(x, neighbor_indices):
    idx = neighbor_indices.astype(jnp.int32)
    V, D = x.shape
    B = idx.shape[0]
    return _make_gather(V, D, B)(x, idx)

# --- scband reference (transcript-rebuilt; emitter-appended) ---
"""Pipeline reference for scband-collect-edge-features-25537875542602 (READ-ONLY COPY).

The authoritative reference and input builder live on the scoring server;
editing this copy changes nothing except your own understanding.
"""

import jax, jax.numpy as jnp
import numpy as np


def setup_inputs(seed: int = 0) -> dict:
    key = jax.random.key(seed)
    k1, k2 = jax.random.split(key)
    x = jax.random.normal(k1, (10000, 128), dtype=jnp.float32)
    neighbor_indices = jax.random.randint(k2, (320000,), 0, 10000, dtype=jnp.int64)
    return {"x": x, "neighbor_indices": neighbor_indices}


def reference(x, neighbor_indices):
    # collect_edge_features: x[neighbor_indices, :]
    return jnp.take(x, neighbor_indices, axis=0)

if __name__ == "__main__":
    import jax
    _d = setup_inputs()
    print(jax.jit(kernel)(*tuple(_d.values())))

</pallas_src>

<mosaic_0001>
#map = affine_map<(d0, d1) -> (0, 0)>
#map1 = affine_map<(d0, d1) -> (0)>
module attributes {stable_mosaic.version = 14 : i64} {
  func.func @k(%arg0: i32, %arg1: i32, %arg2: memref<10000x128xf32, #tpu.memory_space<hbm>>, %arg3: memref<320000xi32, #tpu.memory_space<hbm>>, %arg4: memref<320000x128xf32, #tpu.memory_space<hbm>>, %arg5: memref<64xi32, #tpu.memory_space<vmem>>, %arg6: memref<64xi32, #tpu.memory_space<vmem>>, %arg7: memref<64xi32, #tpu.memory_space<vmem>>, %arg8: memref<64xi32, #tpu.memory_space<vmem>>, %arg9: memref<64xi32, #tpu.memory_space<vmem>>, %arg10: memref<64xi32, #tpu.memory_space<vmem>>, %arg11: memref<64x128xf32, #tpu.memory_space<vmem>>, %arg12: memref<64x128xf32, #tpu.memory_space<vmem>>, %arg13: memref<64x128xf32, #tpu.memory_space<vmem>>, %arg14: memref<64x128xf32, #tpu.memory_space<vmem>>, %arg15: memref<64x128xf32, #tpu.memory_space<vmem>>, %arg16: memref<64x128xf32, #tpu.memory_space<vmem>>, %arg17: memref<!tpu.dma_semaphore, #tpu.memory_space<semaphore_mem>>, %arg18: memref<!tpu.dma_semaphore, #tpu.memory_space<semaphore_mem>>, %arg19: memref<!tpu.dma_semaphore, #tpu.memory_space<semaphore_mem>>, %arg20: memref<!tpu.dma_semaphore, #tpu.memory_space<semaphore_mem>>, %arg21: memref<!tpu.dma_semaphore, #tpu.memory_space<semaphore_mem>>, %arg22: memref<!tpu.dma_semaphore, #tpu.memory_space<semaphore_mem>>, %arg23: memref<!tpu.dma_semaphore, #tpu.memory_space<semaphore_mem>>, %arg24: memref<!tpu.dma_semaphore, #tpu.memory_space<semaphore_mem>>, %arg25: memref<!tpu.dma_semaphore, #tpu.memory_space<semaphore_mem>>, %arg26: memref<!tpu.dma_semaphore, #tpu.memory_space<semaphore_mem>>, %arg27: memref<!tpu.dma_semaphore, #tpu.memory_space<semaphore_mem>>, %arg28: memref<!tpu.dma_semaphore, #tpu.memory_space<semaphore_mem>>, %arg29: memref<!tpu.dma_semaphore, #tpu.memory_space<semaphore_mem>>, %arg30: memref<!tpu.dma_semaphore, #tpu.memory_space<semaphore_mem>>, %arg31: memref<!tpu.dma_semaphore, #tpu.memory_space<semaphore_mem>>, %arg32: memref<!tpu.dma_semaphore, #tpu.memory_space<semaphore_mem>>, %arg33: memref<!tpu.dma_semaphore, #tpu.memory_space<semaphore_mem>>, %arg34: memref<!tpu.dma_semaphore, #tpu.memory_space<semaphore_mem>>, %arg35: memref<10000x128xf32, #tpu.memory_space<vmem_shared>>, %arg36: memref<!tpu.dma_semaphore, #tpu.memory_space<semaphore_mem>>) attributes {dimension_semantics = [#tpu.dimension_semantics<core_parallel>, #tpu.dimension_semantics<subcore_parallel>], iteration_bounds = array<i64: 2, 16>, scalar_prefetch = 0 : i64, scratch_operands = 32 : i64, tpu.core_type = #tpu.core_type<sc_vector_subcore>, window_params = [{transform_indices = #map}, {transform_indices = #map1}, {transform_indices = #map}]} {
    %mul3A = arith.constant 2 : i32
    %mul3A_0 = arith.muli %arg1, %mul3A : i32
    %add3A = arith.addi %mul3A_0, %arg0 : i32
    %eq3A = arith.constant 0 : i32
    %eq3A_1 = arith.cmpi eq, %arg1, %eq3A : i32
    %convert_element_type3A = arith.extui %eq3A_1 : i1 to i32
    %cond3A = arith.constant 0 : i32
    %cond3A_2 = arith.cmpi ne, %convert_element_type3A, %cond3A : i32
    scf.if %cond3A_2 {
      %dma_start3A = arith.constant 0 : i32
      %dma_start3A_316 = arith.constant 0 : i32
      %dma_start3A_317 = tpu.memref_slice %arg35[%dma_start3A, %dma_start3A_316] : memref<10000x128xf32, #tpu.memory_space<vmem_shared>> -> memref<632x128xf32, #tpu.memory_space<vmem_shared>>
      %dma_start3A_318 = arith.constant 0 : i32
      %dma_start3A_319 = arith.constant 0 : i32
      %dma_start3A_320 = tpu.memref_slice %arg2[%dma_start3A_318, %dma_start3A_319] : memref<10000x128xf32, #tpu.memory_space<hbm>> -> memref<632x128xf32, #tpu.memory_space<hbm>>
      tpu.enqueue_dma source(%dma_start3A_320 : memref<632x128xf32, #tpu.memory_space<hbm>>) target(%dma_start3A_317 : memref<632x128xf32, #tpu.memory_space<vmem_shared>>) target_semaphore(%arg36 : memref<!tpu.dma_semaphore, #tpu.memory_space<semaphore_mem>>)
    } else {
    }
    %eq3A_3 = arith.constant 1 : i32
    %eq3A_4 = arith.cmpi eq, %arg1, %eq3A_3 : i32
    %convert_element_type3A_5 = arith.extui %eq3A_4 : i1 to i32
    %cond3A_6 = arith.constant 0 : i32
    %cond3A_7 = arith.cmpi ne, %convert_element_type3A_5, %cond3A_6 : i32
    scf.if %cond3A_7 {
      %dma_start3A = arith.constant 632 : i32
      %dma_start3A_316 = arith.constant 0 : i32
      %dma_start3A_317 = tpu.memref_slice %arg35[%dma_start3A, %dma_start3A_316] : memref<10000x128xf32, #tpu.memory_space<vmem_shared>> -> memref<632x128xf32, #tpu.memory_space<vmem_shared>>
      %dma_start3A_318 = arith.constant 632 : i32
      %dma_start3A_319 = arith.constant 0 : i32
      %dma_start3A_320 = tpu.memref_slice %arg2[%dma_start3A_318, %dma_start3A_319] : memref<10000x128xf32, #tpu.memory_space<hbm>> -> memref<632x128xf32, #tpu.memory_space<hbm>>
      tpu.enqueue_dma source(%dma_start3A_320 : memref<632x128xf32, #tpu.memory_space<hbm>>) target(%dma_start3A_317 : memref<632x128xf32, #tpu.memory_space<vmem_shared>>) target_semaphore(%arg36 : memref<!tpu.dma_semaphore, #tpu.memory_space<semaphore_mem>>)
    } else {
    }
    %eq3A_8 = arith.constant 2 : i32
    %eq3A_9 = arith.cmpi eq, %arg1, %eq3A_8 : i32
    %convert_element_type3A_10 = arith.extui %eq3A_9 : i1 to i32
    %cond3A_11 = arith.constant 0 : i32
    %cond3A_12 = arith.cmpi ne, %convert_element_type3A_10, %cond3A_11 : i32
    scf.if %cond3A_12 {
      %dma_start3A = arith.constant 1264 : i32
      %dma_start3A_316 = arith.constant 0 : i32
      %dma_start3A_317 = tpu.memref_slice %arg35[%dma_start3A, %dma_start3A_316] : memref<10000x128xf32, #tpu.memory_space<vmem_shared>> -> memref<632x128xf32, #tpu.memory_space<vmem_shared>>
      %dma_start3A_318 = arith.constant 1264 : i32
      %dma_start3A_319 = arith.constant 0 : i32
      %dma_start3A_320 = tpu.memref_slice %arg2[%dma_start3A_318, %dma_start3A_319] : memref<10000x128xf32, #tpu.memory_space<hbm>> -> memref<632x128xf32, #tpu.memory_space<hbm>>
      tpu.enqueue_dma source(%dma_start3A_320 : memref<632x128xf32, #tpu.memory_space<hbm>>) target(%dma_start3A_317 : memref<632x128xf32, #tpu.memory_space<vmem_shared>>) target_semaphore(%arg36 : memref<!tpu.dma_semaphore, #tpu.memory_space<semaphore_mem>>)
    } else {
    }
    %eq3A_13 = arith.constant 3 : i32
    %eq3A_14 = arith.cmpi eq, %arg1, %eq3A_13 : i32
    %convert_element_type3A_15 = arith.extui %eq3A_14 : i1 to i32
    %cond3A_16 = arith.constant 0 : i32
    %cond3A_17 = arith.cmpi ne, %convert_element_type3A_15, %cond3A_16 : i32
    scf.if %cond3A_17 {
      %dma_start3A = arith.constant 1896 : i32
      %dma_start3A_316 = arith.constant 0 : i32
      %dma_start3A_317 = tpu.memref_slice %arg35[%dma_start3A, %dma_start3A_316] : memref<10000x128xf32, #tpu.memory_space<vmem_shared>> -> memref<632x128xf32, #tpu.memory_space<vmem_shared>>
      %dma_start3A_318 = arith.constant 1896 : i32
      %dma_start3A_319 = arith.constant 0 : i32
      %dma_start3A_320 = tpu.memref_slice %arg2[%dma_start3A_318, %dma_start3A_319] : memref<10000x128xf32, #tpu.memory_space<hbm>> -> memref<632x128xf32, #tpu.memory_space<hbm>>
      tpu.enqueue_dma source(%dma_start3A_320 : memref<632x128xf32, #tpu.memory_space<hbm>>) target(%dma_start3A_317 : memref<632x128xf32, #tpu.memory_space<vmem_shared>>) target_semaphore(%arg36 : memref<!tpu.dma_semaphore, #tpu.memory_space<semaphore_mem>>)
    } else {
    }
    %eq3A_18 = arith.constant 4 : i32
    %eq3A_19 = arith.cmpi eq, %arg1, %eq3A_18 : i32
    %convert_element_type3A_20 = arith.extui %eq3A_19 : i1 to i32
    %cond3A_21 = arith.constant 0 : i32
    %cond3A_22 = arith.cmpi ne, %convert_element_type3A_20, %cond3A_21 : i32
    scf.if %cond3A_22 {
      %dma_start3A = arith.constant 2528 : i32
      %dma_start3A_316 = arith.constant 0 : i32
      %dma_start3A_317 = tpu.memref_slice %arg35[%dma_start3A, %dma_start3A_316] : memref<10000x128xf32, #tpu.memory_space<vmem_shared>> -> memref<632x128xf32, #tpu.memory_space<vmem_shared>>
      %dma_start3A_318 = arith.constant 2528 : i32
      %dma_start3A_319 = arith.constant 0 : i32
      %dma_start3A_320 = tpu.memref_slice %arg2[%dma_start3A_318, %dma_start3A_319] : memref<10000x128xf32, #tpu.memory_space<hbm>> -> memref<632x128xf32, #tpu.memory_space<hbm>>
      tpu.enqueue_dma source(%dma_start3A_320 : memref<632x128xf32, #tpu.memory_space<hbm>>) target(%dma_start3A_317 : memref<632x128xf32, #tpu.memory_space<vmem_shared>>) target_semaphore(%arg36 : memref<!tpu.dma_semaphore, #tpu.memory_space<semaphore_mem>>)
    } else {
    }
    %eq3A_23 = arith.constant 5 : i32
    %eq3A_24 = arith.cmpi eq, %arg1, %eq3A_23 : i32
    %convert_element_type3A_25 = arith.extui %eq3A_24 : i1 to i32
    %cond3A_26 = arith.constant 0 : i32
    %cond3A_27 = arith.cmpi ne, %convert_element_type3A_25, %cond3A_26 : i32
    scf.if %cond3A_27 {
      %dma_start3A = arith.constant 3160 : i32
      %dma_start3A_316 = arith.constant 0 : i32
      %dma_start3A_317 = tpu.memref_slice %arg35[%dma_start3A, %dma_start3A_316] : memref<10000x128xf32, #tpu.memory_space<vmem_shared>> -> memref<632x128xf32, #tpu.memory_space<vmem_shared>>
      %dma_start3A_318 = arith.constant 3160 : i32
      %dma_start3A_319 = arith.constant 0 : i32
      %dma_start3A_320 = tpu.memref_slice %arg2[%dma_start3A_318, %dma_start3A_319] : memref<10000x128xf32, #tpu.memory_space<hbm>> -> memref<632x128xf32, #tpu.memory_space<hbm>>
      tpu.enqueue_dma source(%dma_start3A_320 : memref<632x128xf32, #tpu.memory_space<hbm>>) target(%dma_start3A_317 : memref<632x128xf32, #tpu.memory_space<vmem_shared>>) target_semaphore(%arg36 : memref<!tpu.dma_semaphore, #tpu.memory_space<semaphore_mem>>)
    } else {
    }
    %eq3A_28 = arith.constant 6 : i32
    %eq3A_29 = arith.cmpi eq, %arg1, %eq3A_28 : i32
    %convert_element_type3A_30 = arith.extui %eq3A_29 : i1 to i32
    %cond3A_31 = arith.constant 0 : i32
    %cond3A_32 = arith.cmpi ne, %convert_element_type3A_30, %cond3A_31 : i32
    scf.if %cond3A_32 {
      %dma_start3A = arith.constant 3792 : i32
      %dma_start3A_316 = arith.constant 0 : i32
      %dma_start3A_317 = tpu.memref_slice %arg35[%dma_start3A, %dma_start3A_316] : memref<10000x128xf32, #tpu.memory_space<vmem_shared>> -> memref<632x128xf32, #tpu.memory_space<vmem_shared>>
      %dma_start3A_318 = arith.constant 3792 : i32
      %dma_start3A_319 = arith.constant 0 : i32
      %dma_start3A_320 = tpu.memref_slice %arg2[%dma_start3A_318, %dma_start3A_319] : memref<10000x128xf32, #tpu.memory_space<hbm>> -> memref<632x128xf32, #tpu.memory_space<hbm>>
      tpu.enqueue_dma source(%dma_start3A_320 : memref<632x128xf32, #tpu.memory_space<hbm>>) target(%dma_start3A_317 : memref<632x128xf32, #tpu.memory_space<vmem_shared>>) target_semaphore(%arg36 : memref<!tpu.dma_semaphore, #tpu.memory_space<semaphore_mem>>)
    } else {
    }
    %eq3A_33 = arith.constant 7 : i32
    %eq3A_34 = arith.cmpi eq, %arg1, %eq3A_33 : i32
    %convert_element_type3A_35 = arith.extui %eq3A_34 : i1 to i32
    %cond3A_36 = arith.constant 0 : i32
    %cond3A_37 = arith.cmpi ne, %convert_element_type3A_35, %cond3A_36 : i32
    scf.if %cond3A_37 {
      %dma_start3A = arith.constant 4424 : i32
      %dma_start3A_316 = arith.constant 0 : i32
      %dma_start3A_317 = tpu.memref_slice %arg35[%dma_start3A, %dma_start3A_316] : memref<10000x128xf32, #tpu.memory_space<vmem_shared>> -> memref<632x128xf32, #tpu.memory_space<vmem_shared>>
      %dma_start3A_318 = arith.constant 4424 : i32
      %dma_start3A_319 = arith.constant 0 : i32
      %dma_start3A_320 = tpu.memref_slice %arg2[%dma_start3A_318, %dma_start3A_319] : memref<10000x128xf32, #tpu.memory_space<hbm>> -> memref<632x128xf32, #tpu.memory_space<hbm>>
      tpu.enqueue_dma source(%dma_start3A_320 : memref<632x128xf32, #tpu.memory_space<hbm>>) target(%dma_start3A_317 : memref<632x128xf32, #tpu.memory_space<vmem_shared>>) target_semaphore(%arg36 : memref<!tpu.dma_semaphore, #tpu.memory_space<semaphore_mem>>)
    } else {
    }
    %eq3A_38 = arith.constant 8 : i32
    %eq3A_39 = arith.cmpi eq, %arg1, %eq3A_38 : i32
    %convert_element_type3A_40 = arith.extui %eq3A_39 : i1 to i32
    %cond3A_41 = arith.constant 0 : i32
    %cond3A_42 = arith.cmpi ne, %convert_element_type3A_40, %cond3A_41 : i32
    scf.if %cond3A_42 {
      %dma_start3A = arith.constant 5056 : i32
      %dma_start3A_316 = arith.constant 0 : i32
      %dma_start3A_317 = tpu.memref_slice %arg35[%dma_start3A, %dma_start3A_316] : memref<10000x128xf32, #tpu.memory_space<vmem_shared>> -> memref<632x128xf32, #tpu.memory_space<vmem_shared>>
      %dma_start3A_318 = arith.constant 5056 : i32
      %dma_start3A_319 = arith.constant 0 : i32
      %dma_start3A_320 = tpu.memref_slice %arg2[%dma_start3A_318, %dma_start3A_319] : memref<10000x128xf32, #tpu.memory_space<hbm>> -> memref<632x128xf32, #tpu.memory_space<hbm>>
      tpu.enqueue_dma source(%dma_start3A_320 : memref<632x128xf32, #tpu.memory_space<hbm>>) target(%dma_start3A_317 : memref<632x128xf32, #tpu.memory_space<vmem_shared>>) target_semaphore(%arg36 : memref<!tpu.dma_semaphore, #tpu.memory_space<semaphore_mem>>)
    } else {
    }
    %eq3A_43 = arith.constant 9 : i32
    %eq3A_44 = arith.cmpi eq, %arg1, %eq3A_43 : i32
    %convert_element_type3A_45 = arith.extui %eq3A_44 : i1 to i32
    %cond3A_46 = arith.constant 0 : i32
    %cond3A_47 = arith.cmpi ne, %convert_element_type3A_45, %cond3A_46 : i32
    scf.if %cond3A_47 {
      %dma_start3A = arith.constant 5688 : i32
      %dma_start3A_316 = arith.constant 0 : i32
      %dma_start3A_317 = tpu.memref_slice %arg35[%dma_start3A, %dma_start3A_316] : memref<10000x128xf32, #tpu.memory_space<vmem_shared>> -> memref<632x128xf32, #tpu.memory_space<vmem_shared>>
      %dma_start3A_318 = arith.constant 5688 : i32
      %dma_start3A_319 = arith.constant 0 : i32
      %dma_start3A_320 = tpu.memref_slice %arg2[%dma_start3A_318, %dma_start3A_319] : memref<10000x128xf32, #tpu.memory_space<hbm>> -> memref<632x128xf32, #tpu.memory_space<hbm>>
      tpu.enqueue_dma source(%dma_start3A_320 : memref<632x128xf32, #tpu.memory_space<hbm>>) target(%dma_start3A_317 : memref<632x128xf32, #tpu.memory_space<vmem_shared>>) target_semaphore(%arg36 : memref<!tpu.dma_semaphore, #tpu.memory_space<semaphore_mem>>)
    } else {
    }
    %eq3A_48 = arith.constant 10 : i32
    %eq3A_49 = arith.cmpi eq, %arg1, %eq3A_48 : i32
    %convert_element_type3A_50 = arith.extui %eq3A_49 : i1 to i32
    %cond3A_51 = arith.constant 0 : i32
    %cond3A_52 = arith.cmpi ne, %convert_element_type3A_50, %cond3A_51 : i32
    scf.if %cond3A_52 {
      %dma_start3A = arith.constant 6320 : i32
      %dma_start3A_316 = arith.constant 0 : i32
      %dma_start3A_317 = tpu.memref_slice %arg35[%dma_start3A, %dma_start3A_316] : memref<10000x128xf32, #tpu.memory_space<vmem_shared>> -> memref<632x128xf32, #tpu.memory_space<vmem_shared>>
      %dma_start3A_318 = arith.constant 6320 : i32
      %dma_start3A_319 = arith.constant 0 : i32
      %dma_start3A_320 = tpu.memref_slice %arg2[%dma_start3A_318, %dma_start3A_319] : memref<10000x128xf32, #tpu.memory_space<hbm>> -> memref<632x128xf32, #tpu.memory_space<hbm>>
      tpu.enqueue_dma source(%dma_start3A_320 : memref<632x128xf32, #tpu.memory_space<hbm>>) target(%dma_start3A_317 : memref<632x128xf32, #tpu.memory_space<vmem_shared>>) target_semaphore(%arg36 : memref<!tpu.dma_semaphore, #tpu.memory_space<semaphore_mem>>)
    } else {
    }
    %eq3A_53 = arith.constant 11 : i32
    %eq3A_54 = arith.cmpi eq, %arg1, %eq3A_53 : i32
    %convert_element_type3A_55 = arith.extui %eq3A_54 : i1 to i32
    %cond3A_56 = arith.constant 0 : i32
    %cond3A_57 = arith.cmpi ne, %convert_element_type3A_55, %cond3A_56 : i32
    scf.if %cond3A_57 {
      %dma_start3A = arith.constant 6952 : i32
      %dma_start3A_316 = arith.constant 0 : i32
      %dma_start3A_317 = tpu.memref_slice %arg35[%dma_start3A, %dma_start3A_316] : memref<10000x128xf32, #tpu.memory_space<vmem_shared>> -> memref<632x128xf32, #tpu.memory_space<vmem_shared>>
      %dma_start3A_318 = arith.constant 6952 : i32
      %dma_start3A_319 = arith.constant 0 : i32
      %dma_start3A_320 = tpu.memref_slice %arg2[%dma_start3A_318, %dma_start3A_319] : memref<10000x128xf32, #tpu.memory_space<hbm>> -> memref<632x128xf32, #tpu.memory_space<hbm>>
      tpu.enqueue_dma source(%dma_start3A_320 : memref<632x128xf32, #tpu.memory_space<hbm>>) target(%dma_start3A_317 : memref<632x128xf32, #tpu.memory_space<vmem_shared>>) target_semaphore(%arg36 : memref<!tpu.dma_semaphore, #tpu.memory_space<semaphore_mem>>)
    } else {
    }
    %eq3A_58 = arith.constant 12 : i32
    %eq3A_59 = arith.cmpi eq, %arg1, %eq3A_58 : i32
    %convert_element_type3A_60 = arith.extui %eq3A_59 : i1 to i32
    %cond3A_61 = arith.constant 0 : i32
    %cond3A_62 = arith.cmpi ne, %convert_element_type3A_60, %cond3A_61 : i32
    scf.if %cond3A_62 {
      %dma_start3A = arith.constant 7584 : i32
      %dma_start3A_316 = arith.constant 0 : i32
      %dma_start3A_317 = tpu.memref_slice %arg35[%dma_start3A, %dma_start3A_316] : memref<10000x128xf32, #tpu.memory_space<vmem_shared>> -> memref<632x128xf32, #tpu.memory_space<vmem_shared>>
      %dma_start3A_318 = arith.constant 7584 : i32
      %dma_start3A_319 = arith.constant 0 : i32
      %dma_start3A_320 = tpu.memref_slice %arg2[%dma_start3A_318, %dma_start3A_319] : memref<10000x128xf32, #tpu.memory_space<hbm>> -> memref<632x128xf32, #tpu.memory_space<hbm>>
      tpu.enqueue_dma source(%dma_start3A_320 : memref<632x128xf32, #tpu.memory_space<hbm>>) target(%dma_start3A_317 : memref<632x128xf32, #tpu.memory_space<vmem_shared>>) target_semaphore(%arg36 : memref<!tpu.dma_semaphore, #tpu.memory_space<semaphore_mem>>)
    } else {
    }
    %eq3A_63 = arith.constant 13 : i32
    %eq3A_64 = arith.cmpi eq, %arg1, %eq3A_63 : i32
    %convert_element_type3A_65 = arith.extui %eq3A_64 : i1 to i32
    %cond3A_66 = arith.constant 0 : i32
    %cond3A_67 = arith.cmpi ne, %convert_element_type3A_65, %cond3A_66 : i32
    scf.if %cond3A_67 {
      %dma_start3A = arith.constant 8216 : i32
      %dma_start3A_316 = arith.constant 0 : i32
      %dma_start3A_317 = tpu.memref_slice %arg35[%dma_start3A, %dma_start3A_316] : memref<10000x128xf32, #tpu.memory_space<vmem_shared>> -> memref<632x128xf32, #tpu.memory_space<vmem_shared>>
      %dma_start3A_318 = arith.constant 8216 : i32
      %dma_start3A_319 = arith.constant 0 : i32
      %dma_start3A_320 = tpu.memref_slice %arg2[%dma_start3A_318, %dma_start3A_319] : memref<10000x128xf32, #tpu.memory_space<hbm>> -> memref<632x128xf32, #tpu.memory_space<hbm>>
      tpu.enqueue_dma source(%dma_start3A_320 : memref<632x128xf32, #tpu.memory_space<hbm>>) target(%dma_start3A_317 : memref<632x128xf32, #tpu.memory_space<vmem_shared>>) target_semaphore(%arg36 : memref<!tpu.dma_semaphore, #tpu.memory_space<semaphore_mem>>)
    } else {
    }
    %eq3A_68 = arith.constant 14 : i32
    %eq3A_69 = arith.cmpi eq, %arg1, %eq3A_68 : i32
    %convert_element_type3A_70 = arith.extui %eq3A_69 : i1 to i32
    %cond3A_71 = arith.constant 0 : i32
    %cond3A_72 = arith.cmpi ne, %convert_element_type3A_70, %cond3A_71 : i32
    scf.if %cond3A_72 {
      %dma_start3A = arith.constant 8848 : i32
      %dma_start3A_316 = arith.constant 0 : i32
      %dma_start3A_317 = tpu.memref_slice %arg35[%dma_start3A, %dma_start3A_316] : memref<10000x128xf32, #tpu.memory_space<vmem_shared>> -> memref<632x128xf32, #tpu.memory_space<vmem_shared>>
      %dma_start3A_318 = arith.constant 8848 : i32
      %dma_start3A_319 = arith.constant 0 : i32
      %dma_start3A_320 = tpu.memref_slice %arg2[%dma_start3A_318, %dma_start3A_319] : memref<10000x128xf32, #tpu.memory_space<hbm>> -> memref<632x128xf32, #tpu.memory_space<hbm>>
      tpu.enqueue_dma source(%dma_start3A_320 : memref<632x128xf32, #tpu.memory_space<hbm>>) target(%dma_start3A_317 : memref<632x128xf32, #tpu.memory_space<vmem_shared>>) target_semaphore(%arg36 : memref<!tpu.dma_semaphore, #tpu.memory_space<semaphore_mem>>)
    } else {
    }
    %eq3A_73 = arith.constant 15 : i32
    %eq3A_74 = arith.cmpi eq, %arg1, %eq3A_73 : i32
    %convert_element_type3A_75 = arith.extui %eq3A_74 : i1 to i32
    %cond3A_76 = arith.constant 0 : i32
    %cond3A_77 = arith.cmpi ne, %convert_element_type3A_75, %cond3A_76 : i32
    scf.if %cond3A_77 {
      %dma_start3A = arith.constant 9480 : i32
      %dma_start3A_316 = arith.constant 0 : i32
      %dma_start3A_317 = tpu.memref_slice %arg35[%dma_start3A, %dma_start3A_316] : memref<10000x128xf32, #tpu.memory_space<vmem_shared>> -> memref<520x128xf32, #tpu.memory_space<vmem_shared>>
      %dma_start3A_318 = arith.constant 9480 : i32
      %dma_start3A_319 = arith.constant 0 : i32
      %dma_start3A_320 = tpu.memref_slice %arg2[%dma_start3A_318, %dma_start3A_319] : memref<10000x128xf32, #tpu.memory_space<hbm>> -> memref<520x128xf32, #tpu.memory_space<hbm>>
      tpu.enqueue_dma source(%dma_start3A_320 : memref<520x128xf32, #tpu.memory_space<hbm>>) target(%dma_start3A_317 : memref<520x128xf32, #tpu.memory_space<vmem_shared>>) target_semaphore(%arg36 : memref<!tpu.dma_semaphore, #tpu.memory_space<semaphore_mem>>)
    } else {
    }
    %add3A_78 = arith.constant 0 : i32
    %add3A_79 = arith.addi %add3A_78, %add3A : i32
    %lt3A = arith.constant 5000 : i32
    %lt3A_80 = arith.cmpi slt, %add3A_79, %lt3A : i32
    %convert_element_type3A_81 = arith.extui %lt3A_80 : i1 to i32
    %cond3A_82 = arith.constant 0 : i32
    %cond3A_83 = arith.cmpi ne, %convert_element_type3A_81, %cond3A_82 : i32
    scf.if %cond3A_83 {
      %mul3A_316 = arith.constant 64 : i32
      %mul3A_317 = arith.muli %add3A_79, %mul3A_316 : i32
      %dma_start3A = tpu.memref_slice %arg3[%mul3A_317] : memref<320000xi32, #tpu.memory_space<hbm>> -> memref<64xi32, #tpu.memory_space<hbm>>
      %dma_start3A_318 = tpu.memref_slice %arg3[%mul3A_317] : memref<320000xi32, #tpu.memory_space<hbm>> -> memref<64xi32, #tpu.memory_space<hbm>>
      tpu.enqueue_dma source(%dma_start3A_318 : memref<64xi32, #tpu.memory_space<hbm>>) target(%arg5 : memref<64xi32, #tpu.memory_space<vmem>>) target_semaphore(%arg17 : memref<!tpu.dma_semaphore, #tpu.memory_space<semaphore_mem>>)
    } else {
    }
    %add3A_84 = arith.constant 32 : i32
    %add3A_85 = arith.addi %add3A_84, %add3A : i32
    %lt3A_86 = arith.constant 5000 : i32
    %lt3A_87 = arith.cmpi slt, %add3A_85, %lt3A_86 : i32
    %convert_element_type3A_88 = arith.extui %lt3A_87 : i1 to i32
    %cond3A_89 = arith.constant 0 : i32
    %cond3A_90 = arith.cmpi ne, %convert_element_type3A_88, %cond3A_89 : i32
    scf.if %cond3A_90 {
      %mul3A_316 = arith.constant 64 : i32
      %mul3A_317 = arith.muli %add3A_85, %mul3A_316 : i32
      %dma_start3A = tpu.memref_slice %arg3[%mul3A_317] : memref<320000xi32, #tpu.memory_space<hbm>> -> memref<64xi32, #tpu.memory_space<hbm>>
      %dma_start3A_318 = tpu.memref_slice %arg3[%mul3A_317] : memref<320000xi32, #tpu.memory_space<hbm>> -> memref<64xi32, #tpu.memory_space<hbm>>
      tpu.enqueue_dma source(%dma_start3A_318 : memref<64xi32, #tpu.memory_space<hbm>>) target(%arg6 : memref<64xi32, #tpu.memory_space<vmem>>) target_semaphore(%arg18 : memref<!tpu.dma_semaphore, #tpu.memory_space<semaphore_mem>>)
    } else {
    }
    %add3A_91 = arith.constant 64 : i32
    %add3A_92 = arith.addi %add3A_91, %add3A : i32
    %lt3A_93 = arith.constant 5000 : i32
    %lt3A_94 = arith.cmpi slt, %add3A_92, %lt3A_93 : i32
    %convert_element_type3A_95 = arith.extui %lt3A_94 : i1 to i32
    %cond3A_96 = arith.constant 0 : i32
    %cond3A_97 = arith.cmpi ne, %convert_element_type3A_95, %cond3A_96 : i32
    scf.if %cond3A_97 {
      %mul3A_316 = arith.constant 64 : i32
      %mul3A_317 = arith.muli %add3A_92, %mul3A_316 : i32
      %dma_start3A = tpu.memref_slice %arg3[%mul3A_317] : memref<320000xi32, #tpu.memory_space<hbm>> -> memref<64xi32, #tpu.memory_space<hbm>>
      %dma_start3A_318 = tpu.memref_slice %arg3[%mul3A_317] : memref<320000xi32, #tpu.memory_space<hbm>> -> memref<64xi32, #tpu.memory_space<hbm>>
      tpu.enqueue_dma source(%dma_start3A_318 : memref<64xi32, #tpu.memory_space<hbm>>) target(%arg7 : memref<64xi32, #tpu.memory_space<vmem>>) target_semaphore(%arg19 : memref<!tpu.dma_semaphore, #tpu.memory_space<semaphore_mem>>)
    } else {
    }
    %add3A_98 = arith.constant 96 : i32
    %add3A_99 = arith.addi %add3A_98, %add3A : i32
    %lt3A_100 = arith.constant 5000 : i32
    %lt3A_101 = arith.cmpi slt, %add3A_99, %lt3A_100 : i32
    %convert_element_type3A_102 = arith.extui %lt3A_101 : i1 to i32
    %cond3A_103 = arith.constant 0 : i32
    %cond3A_104 = arith.cmpi ne, %convert_element_type3A_102, %cond3A_103 : i32
    scf.if %cond3A_104 {
      %mul3A_316 = arith.constant 64 : i32
      %mul3A_317 = arith.muli %add3A_99, %mul3A_316 : i32
      %dma_start3A = tpu.memref_slice %arg3[%mul3A_317] : memref<320000xi32, #tpu.memory_space<hbm>> -> memref<64xi32, #tpu.memory_space<hbm>>
      %dma_start3A_318 = tpu.memref_slice %arg3[%mul3A_317] : memref<320000xi32, #tpu.memory_space<hbm>> -> memref<64xi32, #tpu.memory_space<hbm>>
      tpu.enqueue_dma source(%dma_start3A_318 : memref<64xi32, #tpu.memory_space<hbm>>) target(%arg8 : memref<64xi32, #tpu.memory_space<vmem>>) target_semaphore(%arg20 : memref<!tpu.dma_semaphore, #tpu.memory_space<semaphore_mem>>)
    } else {
    }
    %add3A_105 = arith.constant 128 : i32
    %add3A_106 = arith.addi %add3A_105, %add3A : i32
    %lt3A_107 = arith.constant 5000 : i32
    %lt3A_108 = arith.cmpi slt, %add3A_106, %lt3A_107 : i32
    %convert_element_type3A_109 = arith.extui %lt3A_108 : i1 to i32
    %cond3A_110 = arith.constant 0 : i32
    %cond3A_111 = arith.cmpi ne, %convert_element_type3A_109, %cond3A_110 : i32
    scf.if %cond3A_111 {
      %mul3A_316 = arith.constant 64 : i32
      %mul3A_317 = arith.muli %add3A_106, %mul3A_316 : i32
      %dma_start3A = tpu.memref_slice %arg3[%mul3A_317] : memref<320000xi32, #tpu.memory_space<hbm>> -> memref<64xi32, #tpu.memory_space<hbm>>
      %dma_start3A_318 = tpu.memref_slice %arg3[%mul3A_317] : memref<320000xi32, #tpu.memory_space<hbm>> -> memref<64xi32, #tpu.memory_space<hbm>>
      tpu.enqueue_dma source(%dma_start3A_318 : memref<64xi32, #tpu.memory_space<hbm>>) target(%arg9 : memref<64xi32, #tpu.memory_space<vmem>>) target_semaphore(%arg21 : memref<!tpu.dma_semaphore, #tpu.memory_space<semaphore_mem>>)
    } else {
    }
    %add3A_112 = arith.constant 160 : i32
    %add3A_113 = arith.addi %add3A_112, %add3A : i32
    %lt3A_114 = arith.constant 5000 : i32
    %lt3A_115 = arith.cmpi slt, %add3A_113, %lt3A_114 : i32
    %convert_element_type3A_116 = arith.extui %lt3A_115 : i1 to i32
    %cond3A_117 = arith.constant 0 : i32
    %cond3A_118 = arith.cmpi ne, %convert_element_type3A_116, %cond3A_117 : i32
    scf.if %cond3A_118 {
      %mul3A_316 = arith.constant 64 : i32
      %mul3A_317 = arith.muli %add3A_113, %mul3A_316 : i32
      %dma_start3A = tpu.memref_slice %arg3[%mul3A_317] : memref<320000xi32, #tpu.memory_space<hbm>> -> memref<64xi32, #tpu.memory_space<hbm>>
      %dma_start3A_318 = tpu.memref_slice %arg3[%mul3A_317] : memref<320000xi32, #tpu.memory_space<hbm>> -> memref<64xi32, #tpu.memory_space<hbm>>
      tpu.enqueue_dma source(%dma_start3A_318 : memref<64xi32, #tpu.memory_space<hbm>>) target(%arg10 : memref<64xi32, #tpu.memory_space<vmem>>) target_semaphore(%arg22 : memref<!tpu.dma_semaphore, #tpu.memory_space<semaphore_mem>>)
    } else {
    }
    %eq3A_119 = arith.constant 0 : i32
    %eq3A_120 = arith.cmpi eq, %arg1, %eq3A_119 : i32
    %convert_element_type3A_121 = arith.extui %eq3A_120 : i1 to i32
    %cond3A_122 = arith.constant 0 : i32
    %cond3A_123 = arith.cmpi ne, %convert_element_type3A_121, %cond3A_122 : i32
    scf.if %cond3A_123 {
      %dma_wait3A_316 = arith.constant 0 : i32
      %dma_wait3A_317 = arith.constant 0 : i32
      %dma_wait3A_318 = tpu.memref_slice %arg35[%dma_wait3A_316, %dma_wait3A_317] : memref<10000x128xf32, #tpu.memory_space<vmem_shared>> -> memref<632x128xf32, #tpu.memory_space<vmem_shared>>
      %dma_wait3A_319 = arith.constant 0 : i32
      %dma_wait3A_320 = arith.constant 0 : i32
      %dma_wait3A_321 = tpu.memref_slice %arg2[%dma_wait3A_319, %dma_wait3A_320] : memref<10000x128xf32, #tpu.memory_space<hbm>> -> memref<632x128xf32, #tpu.memory_space<hbm>>
      tpu.wait_dma2 semaphore(%arg36 : memref<!tpu.dma_semaphore, #tpu.memory_space<semaphore_mem>>) src(%dma_wait3A_321 : memref<632x128xf32, #tpu.memory_space<hbm>>) dst(%dma_wait3A_318 : memref<632x128xf32, #tpu.memory_space<vmem_shared>>)
    } else {
    }
    %eq3A_124 = arith.constant 1 : i32
    %eq3A_125 = arith.cmpi eq, %arg1, %eq3A_124 : i32
    %convert_element_type3A_126 = arith.extui %eq3A_125 : i1 to i32
    %cond3A_127 = arith.constant 0 : i32
    %cond3A_128 = arith.cmpi ne, %convert_element_type3A_126, %cond3A_127 : i32
    scf.if %cond3A_128 {
      %dma_wait3A_316 = arith.constant 632 : i32
      %dma_wait3A_317 = arith.constant 0 : i32
      %dma_wait3A_318 = tpu.memref_slice %arg35[%dma_wait3A_316, %dma_wait3A_317] : memref<10000x128xf32, #tpu.memory_space<vmem_shared>> -> memref<632x128xf32, #tpu.memory_space<vmem_shared>>
      %dma_wait3A_319 = arith.constant 632 : i32
      %dma_wait3A_320 = arith.constant 0 : i32
      %dma_wait3A_321 = tpu.memref_slice %arg2[%dma_wait3A_319, %dma_wait3A_320] : memref<10000x128xf32, #tpu.memory_space<hbm>> -> memref<632x128xf32, #tpu.memory_space<hbm>>
      tpu.wait_dma2 semaphore(%arg36 : memref<!tpu.dma_semaphore, #tpu.memory_space<semaphore_mem>>) src(%dma_wait3A_321 : memref<632x128xf32, #tpu.memory_space<hbm>>) dst(%dma_wait3A_318 : memref<632x128xf32, #tpu.memory_space<vmem_shared>>)
    } else {
    }
    %eq3A_129 = arith.constant 2 : i32
    %eq3A_130 = arith.cmpi eq, %arg1, %eq3A_129 : i32
    %convert_element_type3A_131 = arith.extui %eq3A_130 : i1 to i32
    %cond3A_132 = arith.constant 0 : i32
    %cond3A_133 = arith.cmpi ne, %convert_element_type3A_131, %cond3A_132 : i32
    scf.if %cond3A_133 {
      %dma_wait3A_316 = arith.constant 1264 : i32
      %dma_wait3A_317 = arith.constant 0 : i32
      %dma_wait3A_318 = tpu.memref_slice %arg35[%dma_wait3A_316, %dma_wait3A_317] : memref<10000x128xf32, #tpu.memory_space<vmem_shared>> -> memref<632x128xf32, #tpu.memory_space<vmem_shared>>
      %dma_wait3A_319 = arith.constant 1264 : i32
      %dma_wait3A_320 = arith.constant 0 : i32
      %dma_wait3A_321 = tpu.memref_slice %arg2[%dma_wait3A_319, %dma_wait3A_320] : memref<10000x128xf32, #tpu.memory_space<hbm>> -> memref<632x128xf32, #tpu.memory_space<hbm>>
      tpu.wait_dma2 semaphore(%arg36 : memref<!tpu.dma_semaphore, #tpu.memory_space<semaphore_mem>>) src(%dma_wait3A_321 : memref<632x128xf32, #tpu.memory_space<hbm>>) dst(%dma_wait3A_318 : memref<632x128xf32, #tpu.memory_space<vmem_shared>>)
    } else {
    }
    %eq3A_134 = arith.constant 3 : i32
    %eq3A_135 = arith.cmpi eq, %arg1, %eq3A_134 : i32
    %convert_element_type3A_136 = arith.extui %eq3A_135 : i1 to i32
    %cond3A_137 = arith.constant 0 : i32
    %cond3A_138 = arith.cmpi ne, %convert_element_type3A_136, %cond3A_137 : i32
    scf.if %cond3A_138 {
      %dma_wait3A_316 = arith.constant 1896 : i32
      %dma_wait3A_317 = arith.constant 0 : i32
      %dma_wait3A_318 = tpu.memref_slice %arg35[%dma_wait3A_316, %dma_wait3A_317] : memref<10000x128xf32, #tpu.memory_space<vmem_shared>> -> memref<632x128xf32, #tpu.memory_space<vmem_shared>>
      %dma_wait3A_319 = arith.constant 1896 : i32
      %dma_wait3A_320 = arith.constant 0 : i32
      %dma_wait3A_321 = tpu.memref_slice %arg2[%dma_wait3A_319, %dma_wait3A_320] : memref<10000x128xf32, #tpu.memory_space<hbm>> -> memref<632x128xf32, #tpu.memory_space<hbm>>
      tpu.wait_dma2 semaphore(%arg36 : memref<!tpu.dma_semaphore, #tpu.memory_space<semaphore_mem>>) src(%dma_wait3A_321 : memref<632x128xf32, #tpu.memory_space<hbm>>) dst(%dma_wait3A_318 : memref<632x128xf32, #tpu.memory_space<vmem_shared>>)
    } else {
    }
    %eq3A_139 = arith.constant 4 : i32
    %eq3A_140 = arith.cmpi eq, %arg1, %eq3A_139 : i32
    %convert_element_type3A_141 = arith.extui %eq3A_140 : i1 to i32
    %cond3A_142 = arith.constant 0 : i32
    %cond3A_143 = arith.cmpi ne, %convert_element_type3A_141, %cond3A_142 : i32
    scf.if %cond3A_143 {
      %dma_wait3A_316 = arith.constant 2528 : i32
      %dma_wait3A_317 = arith.constant 0 : i32
      %dma_wait3A_318 = tpu.memref_slice %arg35[%dma_wait3A_316, %dma_wait3A_317] : memref<10000x128xf32, #tpu.memory_space<vmem_shared>> -> memref<632x128xf32, #tpu.memory_space<vmem_shared>>
      %dma_wait3A_319 = arith.constant 2528 : i32
      %dma_wait3A_320 = arith.constant 0 : i32
      %dma_wait3A_321 = tpu.memref_slice %arg2[%dma_wait3A_319, %dma_wait3A_320] : memref<10000x128xf32, #tpu.memory_space<hbm>> -> memref<632x128xf32, #tpu.memory_space<hbm>>
      tpu.wait_dma2 semaphore(%arg36 : memref<!tpu.dma_semaphore, #tpu.memory_space<semaphore_mem>>) src(%dma_wait3A_321 : memref<632x128xf32, #tpu.memory_space<hbm>>) dst(%dma_wait3A_318 : memref<632x128xf32, #tpu.memory_space<vmem_shared>>)
    } else {
    }
    %eq3A_144 = arith.constant 5 : i32
    %eq3A_145 = arith.cmpi eq, %arg1, %eq3A_144 : i32
    %convert_element_type3A_146 = arith.extui %eq3A_145 : i1 to i32
    %cond3A_147 = arith.constant 0 : i32
    %cond3A_148 = arith.cmpi ne, %convert_element_type3A_146, %cond3A_147 : i32
    scf.if %cond3A_148 {
      %dma_wait3A_316 = arith.constant 3160 : i32
      %dma_wait3A_317 = arith.constant 0 : i32
      %dma_wait3A_318 = tpu.memref_slice %arg35[%dma_wait3A_316, %dma_wait3A_317] : memref<10000x128xf32, #tpu.memory_space<vmem_shared>> -> memref<632x128xf32, #tpu.memory_space<vmem_shared>>
      %dma_wait3A_319 = arith.constant 3160 : i32
      %dma_wait3A_320 = arith.constant 0 : i32
      %dma_wait3A_321 = tpu.memref_slice %arg2[%dma_wait3A_319, %dma_wait3A_320] : memref<10000x128xf32, #tpu.memory_space<hbm>> -> memref<632x128xf32, #tpu.memory_space<hbm>>
      tpu.wait_dma2 semaphore(%arg36 : memref<!tpu.dma_semaphore, #tpu.memory_space<semaphore_mem>>) src(%dma_wait3A_321 : memref<632x128xf32, #tpu.memory_space<hbm>>) dst(%dma_wait3A_318 : memref<632x128xf32, #tpu.memory_space<vmem_shared>>)
    } else {
    }
    %eq3A_149 = arith.constant 6 : i32
    %eq3A_150 = arith.cmpi eq, %arg1, %eq3A_149 : i32
    %convert_element_type3A_151 = arith.extui %eq3A_150 : i1 to i32
    %cond3A_152 = arith.constant 0 : i32
    %cond3A_153 = arith.cmpi ne, %convert_element_type3A_151, %cond3A_152 : i32
    scf.if %cond3A_153 {
      %dma_wait3A_316 = arith.constant 3792 : i32
      %dma_wait3A_317 = arith.constant 0 : i32
      %dma_wait3A_318 = tpu.memref_slice %arg35[%dma_wait3A_316, %dma_wait3A_317] : memref<10000x128xf32, #tpu.memory_space<vmem_shared>> -> memref<632x128xf32, #tpu.memory_space<vmem_shared>>
      %dma_wait3A_319 = arith.constant 3792 : i32
      %dma_wait3A_320 = arith.constant 0 : i32
      %dma_wait3A_321 = tpu.memref_slice %arg2[%dma_wait3A_319, %dma_wait3A_320] : memref<10000x128xf32, #tpu.memory_space<hbm>> -> memref<632x128xf32, #tpu.memory_space<hbm>>
      tpu.wait_dma2 semaphore(%arg36 : memref<!tpu.dma_semaphore, #tpu.memory_space<semaphore_mem>>) src(%dma_wait3A_321 : memref<632x128xf32, #tpu.memory_space<hbm>>) dst(%dma_wait3A_318 : memref<632x128xf32, #tpu.memory_space<vmem_shared>>)
    } else {
    }
    %eq3A_154 = arith.constant 7 : i32
    %eq3A_155 = arith.cmpi eq, %arg1, %eq3A_154 : i32
    %convert_element_type3A_156 = arith.extui %eq3A_155 : i1 to i32
    %cond3A_157 = arith.constant 0 : i32
    %cond3A_158 = arith.cmpi ne, %convert_element_type3A_156, %cond3A_157 : i32
    scf.if %cond3A_158 {
      %dma_wait3A_316 = arith.constant 4424 : i32
      %dma_wait3A_317 = arith.constant 0 : i32
      %dma_wait3A_318 = tpu.memref_slice %arg35[%dma_wait3A_316, %dma_wait3A_317] : memref<10000x128xf32, #tpu.memory_space<vmem_shared>> -> memref<632x128xf32, #tpu.memory_space<vmem_shared>>
      %dma_wait3A_319 = arith.constant 4424 : i32
      %dma_wait3A_320 = arith.constant 0 : i32
      %dma_wait3A_321 = tpu.memref_slice %arg2[%dma_wait3A_319, %dma_wait3A_320] : memref<10000x128xf32, #tpu.memory_space<hbm>> -> memref<632x128xf32, #tpu.memory_space<hbm>>
      tpu.wait_dma2 semaphore(%arg36 : memref<!tpu.dma_semaphore, #tpu.memory_space<semaphore_mem>>) src(%dma_wait3A_321 : memref<632x128xf32, #tpu.memory_space<hbm>>) dst(%dma_wait3A_318 : memref<632x128xf32, #tpu.memory_space<vmem_shared>>)
    } else {
    }
    %eq3A_159 = arith.constant 8 : i32
    %eq3A_160 = arith.cmpi eq, %arg1, %eq3A_159 : i32
    %convert_element_type3A_161 = arith.extui %eq3A_160 : i1 to i32
    %cond3A_162 = arith.constant 0 : i32
    %cond3A_163 = arith.cmpi ne, %convert_element_type3A_161, %cond3A_162 : i32
    scf.if %cond3A_163 {
      %dma_wait3A_316 = arith.constant 5056 : i32
      %dma_wait3A_317 = arith.constant 0 : i32
      %dma_wait3A_318 = tpu.memref_slice %arg35[%dma_wait3A_316, %dma_wait3A_317] : memref<10000x128xf32, #tpu.memory_space<vmem_shared>> -> memref<632x128xf32, #tpu.memory_space<vmem_shared>>
      %dma_wait3A_319 = arith.constant 5056 : i32
      %dma_wait3A_320 = arith.constant 0 : i32
      %dma_wait3A_321 = tpu.memref_slice %arg2[%dma_wait3A_319, %dma_wait3A_320] : memref<10000x128xf32, #tpu.memory_space<hbm>> -> memref<632x128xf32, #tpu.memory_space<hbm>>
      tpu.wait_dma2 semaphore(%arg36 : memref<!tpu.dma_semaphore, #tpu.memory_space<semaphore_mem>>) src(%dma_wait3A_321 : memref<632x128xf32, #tpu.memory_space<hbm>>) dst(%dma_wait3A_318 : memref<632x128xf32, #tpu.memory_space<vmem_shared>>)
    } else {
    }
    %eq3A_164 = arith.constant 9 : i32
    %eq3A_165 = arith.cmpi eq, %arg1, %eq3A_164 : i32
    %convert_element_type3A_166 = arith.extui %eq3A_165 : i1 to i32
    %cond3A_167 = arith.constant 0 : i32
    %cond3A_168 = arith.cmpi ne, %convert_element_type3A_166, %cond3A_167 : i32
    scf.if %cond3A_168 {
      %dma_wait3A_316 = arith.constant 5688 : i32
      %dma_wait3A_317 = arith.constant 0 : i32
      %dma_wait3A_318 = tpu.memref_slice %arg35[%dma_wait3A_316, %dma_wait3A_317] : memref<10000x128xf32, #tpu.memory_space<vmem_shared>> -> memref<632x128xf32, #tpu.memory_space<vmem_shared>>
      %dma_wait3A_319 = arith.constant 5688 : i32
      %dma_wait3A_320 = arith.constant 0 : i32
      %dma_wait3A_321 = tpu.memref_slice %arg2[%dma_wait3A_319, %dma_wait3A_320] : memref<10000x128xf32, #tpu.memory_space<hbm>> -> memref<632x128xf32, #tpu.memory_space<hbm>>
      tpu.wait_dma2 semaphore(%arg36 : memref<!tpu.dma_semaphore, #tpu.memory_space<semaphore_mem>>) src(%dma_wait3A_321 : memref<632x128xf32, #tpu.memory_space<hbm>>) dst(%dma_wait3A_318 : memref<632x128xf32, #tpu.memory_space<vmem_shared>>)
    } else {
    }
    %eq3A_169 = arith.constant 10 : i32
    %eq3A_170 = arith.cmpi eq, %arg1, %eq3A_169 : i32
    %convert_element_type3A_171 = arith.extui %eq3A_170 : i1 to i32
    %cond3A_172 = arith.constant 0 : i32
    %cond3A_173 = arith.cmpi ne, %convert_element_type3A_171, %cond3A_172 : i32
    scf.if %cond3A_173 {
      %dma_wait3A_316 = arith.constant 6320 : i32
      %dma_wait3A_317 = arith.constant 0 : i32
      %dma_wait3A_318 = tpu.memref_slice %arg35[%dma_wait3A_316, %dma_wait3A_317] : memref<10000x128xf32, #tpu.memory_space<vmem_shared>> -> memref<632x128xf32, #tpu.memory_space<vmem_shared>>
      %dma_wait3A_319 = arith.constant 6320 : i32
      %dma_wait3A_320 = arith.constant 0 : i32
      %dma_wait3A_321 = tpu.memref_slice %arg2[%dma_wait3A_319, %dma_wait3A_320] : memref<10000x128xf32, #tpu.memory_space<hbm>> -> memref<632x128xf32, #tpu.memory_space<hbm>>
      tpu.wait_dma2 semaphore(%arg36 : memref<!tpu.dma_semaphore, #tpu.memory_space<semaphore_mem>>) src(%dma_wait3A_321 : memref<632x128xf32, #tpu.memory_space<hbm>>) dst(%dma_wait3A_318 : memref<632x128xf32, #tpu.memory_space<vmem_shared>>)
    } else {
    }
    %eq3A_174 = arith.constant 11 : i32
    %eq3A_175 = arith.cmpi eq, %arg1, %eq3A_174 : i32
    %convert_element_type3A_176 = arith.extui %eq3A_175 : i1 to i32
    %cond3A_177 = arith.constant 0 : i32
    %cond3A_178 = arith.cmpi ne, %convert_element_type3A_176, %cond3A_177 : i32
    scf.if %cond3A_178 {
      %dma_wait3A_316 = arith.constant 6952 : i32
      %dma_wait3A_317 = arith.constant 0 : i32
      %dma_wait3A_318 = tpu.memref_slice %arg35[%dma_wait3A_316, %dma_wait3A_317] : memref<10000x128xf32, #tpu.memory_space<vmem_shared>> -> memref<632x128xf32, #tpu.memory_space<vmem_shared>>
      %dma_wait3A_319 = arith.constant 6952 : i32
      %dma_wait3A_320 = arith.constant 0 : i32
      %dma_wait3A_321 = tpu.memref_slice %arg2[%dma_wait3A_319, %dma_wait3A_320] : memref<10000x128xf32, #tpu.memory_space<hbm>> -> memref<632x128xf32, #tpu.memory_space<hbm>>
      tpu.wait_dma2 semaphore(%arg36 : memref<!tpu.dma_semaphore, #tpu.memory_space<semaphore_mem>>) src(%dma_wait3A_321 : memref<632x128xf32, #tpu.memory_space<hbm>>) dst(%dma_wait3A_318 : memref<632x128xf32, #tpu.memory_space<vmem_shared>>)
    } else {
    }
    %eq3A_179 = arith.constant 12 : i32
    %eq3A_180 = arith.cmpi eq, %arg1, %eq3A_179 : i32
    %convert_element_type3A_181 = arith.extui %eq3A_180 : i1 to i32
    %cond3A_182 = arith.constant 0 : i32
    %cond3A_183 = arith.cmpi ne, %convert_element_type3A_181, %cond3A_182 : i32
    scf.if %cond3A_183 {
      %dma_wait3A_316 = arith.constant 7584 : i32
      %dma_wait3A_317 = arith.constant 0 : i32
      %dma_wait3A_318 = tpu.memref_slice %arg35[%dma_wait3A_316, %dma_wait3A_317] : memref<10000x128xf32, #tpu.memory_space<vmem_shared>> -> memref<632x128xf32, #tpu.memory_space<vmem_shared>>
      %dma_wait3A_319 = arith.constant 7584 : i32
      %dma_wait3A_320 = arith.constant 0 : i32
      %dma_wait3A_321 = tpu.memref_slice %arg2[%dma_wait3A_319, %dma_wait3A_320] : memref<10000x128xf32, #tpu.memory_space<hbm>> -> memref<632x128xf32, #tpu.memory_space<hbm>>
      tpu.wait_dma2 semaphore(%arg36 : memref<!tpu.dma_semaphore, #tpu.memory_space<semaphore_mem>>) src(%dma_wait3A_321 : memref<632x128xf32, #tpu.memory_space<hbm>>) dst(%dma_wait3A_318 : memref<632x128xf32, #tpu.memory_space<vmem_shared>>)
    } else {
    }
    %eq3A_184 = arith.constant 13 : i32
    %eq3A_185 = arith.cmpi eq, %arg1, %eq3A_184 : i32
    %convert_element_type3A_186 = arith.extui %eq3A_185 : i1 to i32
    %cond3A_187 = arith.constant 0 : i32
    %cond3A_188 = arith.cmpi ne, %convert_element_type3A_186, %cond3A_187 : i32
    scf.if %cond3A_188 {
      %dma_wait3A_316 = arith.constant 8216 : i32
      %dma_wait3A_317 = arith.constant 0 : i32
      %dma_wait3A_318 = tpu.memref_slice %arg35[%dma_wait3A_316, %dma_wait3A_317] : memref<10000x128xf32, #tpu.memory_space<vmem_shared>> -> memref<632x128xf32, #tpu.memory_space<vmem_shared>>
      %dma_wait3A_319 = arith.constant 8216 : i32
      %dma_wait3A_320 = arith.constant 0 : i32
      %dma_wait3A_321 = tpu.memref_slice %arg2[%dma_wait3A_319, %dma_wait3A_320] : memref<10000x128xf32, #tpu.memory_space<hbm>> -> memref<632x128xf32, #tpu.memory_space<hbm>>
      tpu.wait_dma2 semaphore(%arg36 : memref<!tpu.dma_semaphore, #tpu.memory_space<semaphore_mem>>) src(%dma_wait3A_321 : memref<632x128xf32, #tpu.memory_space<hbm>>) dst(%dma_wait3A_318 : memref<632x128xf32, #tpu.memory_space<vmem_shared>>)
    } else {
    }
    %eq3A_189 = arith.constant 14 : i32
    %eq3A_190 = arith.cmpi eq, %arg1, %eq3A_189 : i32
    %convert_element_type3A_191 = arith.extui %eq3A_190 : i1 to i32
    %cond3A_192 = arith.constant 0 : i32
    %cond3A_193 = arith.cmpi ne, %convert_element_type3A_191, %cond3A_192 : i32
    scf.if %cond3A_193 {
      %dma_wait3A_316 = arith.constant 8848 : i32
      %dma_wait3A_317 = arith.constant 0 : i32
      %dma_wait3A_318 = tpu.memref_slice %arg35[%dma_wait3A_316, %dma_wait3A_317] : memref<10000x128xf32, #tpu.memory_space<vmem_shared>> -> memref<632x128xf32, #tpu.memory_space<vmem_shared>>
      %dma_wait3A_319 = arith.constant 8848 : i32
      %dma_wait3A_320 = arith.constant 0 : i32
      %dma_wait3A_321 = tpu.memref_slice %arg2[%dma_wait3A_319, %dma_wait3A_320] : memref<10000x128xf32, #tpu.memory_space<hbm>> -> memref<632x128xf32, #tpu.memory_space<hbm>>
      tpu.wait_dma2 semaphore(%arg36 : memref<!tpu.dma_semaphore, #tpu.memory_space<semaphore_mem>>) src(%dma_wait3A_321 : memref<632x128xf32, #tpu.memory_space<hbm>>) dst(%dma_wait3A_318 : memref<632x128xf32, #tpu.memory_space<vmem_shared>>)
    } else {
    }
    %eq3A_194 = arith.constant 15 : i32
    %eq3A_195 = arith.cmpi eq, %arg1, %eq3A_194 : i32
    %convert_element_type3A_196 = arith.extui %eq3A_195 : i1 to i32
    %cond3A_197 = arith.constant 0 : i32
    %cond3A_198 = arith.cmpi ne, %convert_element_type3A_196, %cond3A_197 : i32
    scf.if %cond3A_198 {
      %dma_wait3A_316 = arith.constant 9480 : i32
      %dma_wait3A_317 = arith.constant 0 : i32
      %dma_wait3A_318 = tpu.memref_slice %arg35[%dma_wait3A_316, %dma_wait3A_317] : memref<10000x128xf32, #tpu.memory_space<vmem_shared>> -> memref<520x128xf32, #tpu.memory_space<vmem_shared>>
      %dma_wait3A_319 = arith.constant 9480 : i32
      %dma_wait3A_320 = arith.constant 0 : i32
      %dma_wait3A_321 = tpu.memref_slice %arg2[%dma_wait3A_319, %dma_wait3A_320] : memref<10000x128xf32, #tpu.memory_space<hbm>> -> memref<520x128xf32, #tpu.memory_space<hbm>>
      tpu.wait_dma2 semaphore(%arg36 : memref<!tpu.dma_semaphore, #tpu.memory_space<semaphore_mem>>) src(%dma_wait3A_321 : memref<520x128xf32, #tpu.memory_space<hbm>>) dst(%dma_wait3A_318 : memref<520x128xf32, #tpu.memory_space<vmem_shared>>)
    } else {
    }
    %barrier3A = arith.constant 0 : index
    tpu.barrier barrier_id(%barrier3A)
    %add3A_199 = arith.constant 0 : i32
    %add3A_200 = arith.addi %add3A_199, %add3A : i32
    %lt3A_201 = arith.constant 5000 : i32
    %lt3A_202 = arith.cmpi slt, %add3A_200, %lt3A_201 : i32
    %convert_element_type3A_203 = arith.extui %lt3A_202 : i1 to i32
    %cond3A_204 = arith.constant 0 : i32
    %cond3A_205 = arith.cmpi ne, %convert_element_type3A_203, %cond3A_204 : i32
    scf.if %cond3A_205 {
      %dma_wait3A_316 = arith.constant 0 : i32
      %dma_wait3A_317 = tpu.memref_slice %arg3[%dma_wait3A_316] : memref<320000xi32, #tpu.memory_space<hbm>> -> memref<64xi32, #tpu.memory_space<hbm>>
      %dma_wait3A_318 = arith.constant 0 : i32
      %dma_wait3A_319 = tpu.memref_slice %arg3[%dma_wait3A_318] : memref<320000xi32, #tpu.memory_space<hbm>> -> memref<64xi32, #tpu.memory_space<hbm>>
      tpu.wait_dma2 semaphore(%arg17 : memref<!tpu.dma_semaphore, #tpu.memory_space<semaphore_mem>>) src(%dma_wait3A_319 : memref<64xi32, #tpu.memory_space<hbm>>) dst(%arg5 : memref<64xi32, #tpu.memory_space<vmem>>)
      %dma_start3A = arith.constant 0 : i32
      %dma_start3A_320 = arith.constant 0 : i32
      %dma_start3A_321 = tpu.memref_slice %arg35[%dma_start3A, %dma_start3A_320] : memref<10000x128xf32, #tpu.memory_space<vmem_shared>> -> memref<10000x128xf32, #tpu.memory_space<vmem_shared>>
      tpu.enqueue_indirect_dma source(%dma_start3A_321 : memref<10000x128xf32, #tpu.memory_space<vmem_shared>>) target(%arg11 : memref<64x128xf32, #tpu.memory_space<vmem>>) offsets(%arg5 : memref<64xi32, #tpu.memory_space<vmem>>) semaphore(%arg23 : memref<!tpu.dma_semaphore, #tpu.memory_space<semaphore_mem>>)
    } else {
    }
    %add3A_206 = arith.constant 32 : i32
    %add3A_207 = arith.addi %add3A_206, %add3A : i32
    %lt3A_208 = arith.constant 5000 : i32
    %lt3A_209 = arith.cmpi slt, %add3A_207, %lt3A_208 : i32
    %convert_element_type3A_210 = arith.extui %lt3A_209 : i1 to i32
    %cond3A_211 = arith.constant 0 : i32
    %cond3A_212 = arith.cmpi ne, %convert_element_type3A_210, %cond3A_211 : i32
    scf.if %cond3A_212 {
      %dma_wait3A_316 = arith.constant 0 : i32
      %dma_wait3A_317 = tpu.memref_slice %arg3[%dma_wait3A_316] : memref<320000xi32, #tpu.memory_space<hbm>> -> memref<64xi32, #tpu.memory_space<hbm>>
      %dma_wait3A_318 = arith.constant 0 : i32
      %dma_wait3A_319 = tpu.memref_slice %arg3[%dma_wait3A_318] : memref<320000xi32, #tpu.memory_space<hbm>> -> memref<64xi32, #tpu.memory_space<hbm>>
      tpu.wait_dma2 semaphore(%arg18 : memref<!tpu.dma_semaphore, #tpu.memory_space<semaphore_mem>>) src(%dma_wait3A_319 : memref<64xi32, #tpu.memory_space<hbm>>) dst(%arg6 : memref<64xi32, #tpu.memory_space<vmem>>)
      %dma_start3A = arith.constant 0 : i32
      %dma_start3A_320 = arith.constant 0 : i32
      %dma_start3A_321 = tpu.memref_slice %arg35[%dma_start3A, %dma_start3A_320] : memref<10000x128xf32, #tpu.memory_space<vmem_shared>> -> memref<10000x128xf32, #tpu.memory_space<vmem_shared>>
      tpu.enqueue_indirect_dma source(%dma_start3A_321 : memref<10000x128xf32, #tpu.memory_space<vmem_shared>>) target(%arg12 : memref<64x128xf32, #tpu.memory_space<vmem>>) offsets(%arg6 : memref<64xi32, #tpu.memory_space<vmem>>) semaphore(%arg24 : memref<!tpu.dma_semaphore, #tpu.memory_space<semaphore_mem>>)
    } else {
    }
    %add3A_213 = arith.constant 0 : i32
    %add3A_214 = arith.addi %add3A_213, %add3A : i32
    %lt3A_215 = arith.constant 5000 : i32
    %lt3A_216 = arith.cmpi slt, %add3A_214, %lt3A_215 : i32
    %convert_element_type3A_217 = arith.extui %lt3A_216 : i1 to i32
    %cond3A_218 = arith.constant 0 : i32
    %cond3A_219 = arith.cmpi ne, %convert_element_type3A_217, %cond3A_218 : i32
    scf.if %cond3A_219 {
      %dma_wait3A_316 = arith.constant 0 : i32
      %dma_wait3A_317 = arith.constant 0 : i32
      %dma_wait3A_318 = tpu.memref_slice %arg35[%dma_wait3A_316, %dma_wait3A_317] : memref<10000x128xf32, #tpu.memory_space<vmem_shared>> -> memref<10000x128xf32, #tpu.memory_space<vmem_shared>>
      tpu.wait_indirect_dma semaphore(%arg23 : memref<!tpu.dma_semaphore, #tpu.memory_space<semaphore_mem>>) src(%dma_wait3A_318 : memref<10000x128xf32, #tpu.memory_space<vmem_shared>>) dst(%arg11 : memref<64x128xf32, #tpu.memory_space<vmem>>)
      %mul3A_319 = arith.constant 64 : i32
      %mul3A_320 = arith.muli %add3A_214, %mul3A_319 : i32
      %dma_start3A = arith.constant 0 : i32
      %dma_start3A_321 = tpu.memref_slice %arg4[%mul3A_320, %dma_start3A] : memref<320000x128xf32, #tpu.memory_space<hbm>> -> memref<64x128xf32, #tpu.memory_space<hbm>>
      %dma_start3A_322 = arith.constant 0 : i32
      %dma_start3A_323 = tpu.memref_slice %arg4[%mul3A_320, %dma_start3A_322] : memref<320000x128xf32, #tpu.memory_space<hbm>> -> memref<64x128xf32, #tpu.memory_space<hbm>>
      tpu.enqueue_dma source(%arg11 : memref<64x128xf32, #tpu.memory_space<vmem>>) target(%dma_start3A_323 : memref<64x128xf32, #tpu.memory_space<hbm>>) target_semaphore(%arg29 : memref<!tpu.dma_semaphore, #tpu.memory_space<semaphore_mem>>)
      %add3A_324 = arith.constant 192 : i32
      %add3A_325 = arith.addi %add3A_324, %add3A : i32
      %lt3A_326 = arith.constant 5000 : i32
      %lt3A_327 = arith.cmpi slt, %add3A_325, %lt3A_326 : i32
      %convert_element_type3A_328 = arith.extui %lt3A_327 : i1 to i32
      %cond3A_329 = arith.constant 0 : i32
      %cond3A_330 = arith.cmpi ne, %convert_element_type3A_328, %cond3A_329 : i32
      scf.if %cond3A_330 {
        %mul3A_331 = arith.constant 64 : i32
        %mul3A_332 = arith.muli %add3A_325, %mul3A_331 : i32
        %dma_start3A_333 = tpu.memref_slice %arg3[%mul3A_332] : memref<320000xi32, #tpu.memory_space<hbm>> -> memref<64xi32, #tpu.memory_space<hbm>>
        %dma_start3A_334 = tpu.memref_slice %arg3[%mul3A_332] : memref<320000xi32, #tpu.memory_space<hbm>> -> memref<64xi32, #tpu.memory_space<hbm>>
        tpu.enqueue_dma source(%dma_start3A_334 : memref<64xi32, #tpu.memory_space<hbm>>) target(%arg5 : memref<64xi32, #tpu.memory_space<vmem>>) target_semaphore(%arg17 : memref<!tpu.dma_semaphore, #tpu.memory_space<semaphore_mem>>)
      } else {
      }
    } else {
    }
    %add3A_220 = arith.constant 64 : i32
    %add3A_221 = arith.addi %add3A_220, %add3A : i32
    %lt3A_222 = arith.constant 5000 : i32
    %lt3A_223 = arith.cmpi slt, %add3A_221, %lt3A_222 : i32
    %convert_element_type3A_224 = arith.extui %lt3A_223 : i1 to i32
    %cond3A_225 = arith.constant 0 : i32
    %cond3A_226 = arith.cmpi ne, %convert_element_type3A_224, %cond3A_225 : i32
    scf.if %cond3A_226 {
      %dma_wait3A_316 = arith.constant 0 : i32
      %dma_wait3A_317 = tpu.memref_slice %arg3[%dma_wait3A_316] : memref<320000xi32, #tpu.memory_space<hbm>> -> memref<64xi32, #tpu.memory_space<hbm>>
      %dma_wait3A_318 = arith.constant 0 : i32
      %dma_wait3A_319 = tpu.memref_slice %arg3[%dma_wait3A_318] : memref<320000xi32, #tpu.memory_space<hbm>> -> memref<64xi32, #tpu.memory_space<hbm>>
      tpu.wait_dma2 semaphore(%arg19 : memref<!tpu.dma_semaphore, #tpu.memory_space<semaphore_mem>>) src(%dma_wait3A_319 : memref<64xi32, #tpu.memory_space<hbm>>) dst(%arg7 : memref<64xi32, #tpu.memory_space<vmem>>)
      %dma_start3A = arith.constant 0 : i32
      %dma_start3A_320 = arith.constant 0 : i32
      %dma_start3A_321 = tpu.memref_slice %arg35[%dma_start3A, %dma_start3A_320] : memref<10000x128xf32, #tpu.memory_space<vmem_shared>> -> memref<10000x128xf32, #tpu.memory_space<vmem_shared>>
      tpu.enqueue_indirect_dma source(%dma_start3A_321 : memref<10000x128xf32, #tpu.memory_space<vmem_shared>>) target(%arg13 : memref<64x128xf32, #tpu.memory_space<vmem>>) offsets(%arg7 : memref<64xi32, #tpu.memory_space<vmem>>) semaphore(%arg25 : memref<!tpu.dma_semaphore, #tpu.memory_space<semaphore_mem>>)
    } else {
    }
    %add3A_227 = arith.constant 32 : i32
    %add3A_228 = arith.addi %add3A_227, %add3A : i32
    %lt3A_229 = arith.constant 5000 : i32
    %lt3A_230 = arith.cmpi slt, %add3A_228, %lt3A_229 : i32
    %convert_element_type3A_231 = arith.extui %lt3A_230 : i1 to i32
    %cond3A_232 = arith.constant 0 : i32
    %cond3A_233 = arith.cmpi ne, %convert_element_type3A_231, %cond3A_232 : i32
    scf.if %cond3A_233 {
      %dma_wait3A_316 = arith.constant 0 : i32
      %dma_wait3A_317 = arith.constant 0 : i32
      %dma_wait3A_318 = tpu.memref_slice %arg35[%dma_wait3A_316, %dma_wait3A_317] : memref<10000x128xf32, #tpu.memory_space<vmem_shared>> -> memref<10000x128xf32, #tpu.memory_space<vmem_shared>>
      tpu.wait_indirect_dma semaphore(%arg24 : memref<!tpu.dma_semaphore, #tpu.memory_space<semaphore_mem>>) src(%dma_wait3A_318 : memref<10000x128xf32, #tpu.memory_space<vmem_shared>>) dst(%arg12 : memref<64x128xf32, #tpu.memory_space<vmem>>)
      %mul3A_319 = arith.constant 64 : i32
      %mul3A_320 = arith.muli %add3A_228, %mul3A_319 : i32
      %dma_start3A = arith.constant 0 : i32
      %dma_start3A_321 = tpu.memref_slice %arg4[%mul3A_320, %dma_start3A] : memref<320000x128xf32, #tpu.memory_space<hbm>> -> memref<64x128xf32, #tpu.memory_space<hbm>>
      %dma_start3A_322 = arith.constant 0 : i32
      %dma_start3A_323 = tpu.memref_slice %arg4[%mul3A_320, %dma_start3A_322] : memref<320000x128xf32, #tpu.memory_space<hbm>> -> memref<64x128xf32, #tpu.memory_space<hbm>>
      tpu.enqueue_dma source(%arg12 : memref<64x128xf32, #tpu.memory_space<vmem>>) target(%dma_start3A_323 : memref<64x128xf32, #tpu.memory_space<hbm>>) target_semaphore(%arg30 : memref<!tpu.dma_semaphore, #tpu.memory_space<semaphore_mem>>)
      %add3A_324 = arith.constant 224 : i32
      %add3A_325 = arith.addi %add3A_324, %add3A : i32
      %lt3A_326 = arith.constant 5000 : i32
      %lt3A_327 = arith.cmpi slt, %add3A_325, %lt3A_326 : i32
      %convert_element_type3A_328 = arith.extui %lt3A_327 : i1 to i32
      %cond3A_329 = arith.constant 0 : i32
      %cond3A_330 = arith.cmpi ne, %convert_element_type3A_328, %cond3A_329 : i32
      scf.if %cond3A_330 {
        %mul3A_331 = arith.constant 64 : i32
        %mul3A_332 = arith.muli %add3A_325, %mul3A_331 : i32
        %dma_start3A_333 = tpu.memref_slice %arg3[%mul3A_332] : memref<320000xi32, #tpu.memory_space<hbm>> -> memref<64xi32, #tpu.memory_space<hbm>>
        %dma_start3A_334 = tpu.memref_slice %arg3[%mul3A_332] : memref<320000xi32, #tpu.memory_space<hbm>> -> memref<64xi32, #tpu.memory_space<hbm>>
        tpu.enqueue_dma source(%dma_start3A_334 : memref<64xi32, #tpu.memory_space<hbm>>) target(%arg6 : memref<64xi32, #tpu.memory_space<vmem>>) target_semaphore(%arg18 : memref<!tpu.dma_semaphore, #tpu.memory_space<semaphore_mem>>)
      } else {
      }
    } else {
    }
    %add3A_234 = arith.constant 96 : i32
    %add3A_235 = arith.addi %add3A_234, %add3A : i32
    %lt3A_236 = arith.constant 5000 : i32
    %lt3A_237 = arith.cmpi slt, %add3A_235, %lt3A_236 : i32
    %convert_element_type3A_238 = arith.extui %lt3A_237 : i1 to i32
    %cond3A_239 = arith.constant 0 : i32
    %cond3A_240 = arith.cmpi ne, %convert_element_type3A_238, %cond3A_239 : i32
    scf.if %cond3A_240 {
      %dma_wait3A_316 = arith.constant 0 : i32
      %dma_wait3A_317 = tpu.memref_slice %arg3[%dma_wait3A_316] : memref<320000xi32, #tpu.memory_space<hbm>> -> memref<64xi32, #tpu.memory_space<hbm>>
      %dma_wait3A_318 = arith.constant 0 : i32
      %dma_wait3A_319 = tpu.memref_slice %arg3[%dma_wait3A_318] : memref<320000xi32, #tpu.memory_space<hbm>> -> memref<64xi32, #tpu.memory_space<hbm>>
      tpu.wait_dma2 semaphore(%arg20 : memref<!tpu.dma_semaphore, #tpu.memory_space<semaphore_mem>>) src(%dma_wait3A_319 : memref<64xi32, #tpu.memory_space<hbm>>) dst(%arg8 : memref<64xi32, #tpu.memory_space<vmem>>)
      %dma_start3A = arith.constant 0 : i32
      %dma_start3A_320 = arith.constant 0 : i32
      %dma_start3A_321 = tpu.memref_slice %arg35[%dma_start3A, %dma_start3A_320] : memref<10000x128xf32, #tpu.memory_space<vmem_shared>> -> memref<10000x128xf32, #tpu.memory_space<vmem_shared>>
      tpu.enqueue_indirect_dma source(%dma_start3A_321 : memref<10000x128xf32, #tpu.memory_space<vmem_shared>>) target(%arg14 : memref<64x128xf32, #tpu.memory_space<vmem>>) offsets(%arg8 : memref<64xi32, #tpu.memory_space<vmem>>) semaphore(%arg26 : memref<!tpu.dma_semaphore, #tpu.memory_space<semaphore_mem>>)
    } else {
    }
    %add3A_241 = arith.constant 64 : i32
    %add3A_242 = arith.addi %add3A_241, %add3A : i32
    %lt3A_243 = arith.constant 5000 : i32
    %lt3A_244 = arith.cmpi slt, %add3A_242, %lt3A_243 : i32
    %convert_element_type3A_245 = arith.extui %lt3A_244 : i1 to i32
    %cond3A_246 = arith.constant 0 : i32
    %cond3A_247 = arith.cmpi ne, %convert_element_type3A_245, %cond3A_246 : i32
    scf.if %cond3A_247 {
      %dma_wait3A_316 = arith.constant 0 : i32
      %dma_wait3A_317 = arith.constant 0 : i32
      %dma_wait3A_318 = tpu.memref_slice %arg35[%dma_wait3A_316, %dma_wait3A_317] : memref<10000x128xf32, #tpu.memory_space<vmem_shared>> -> memref<10000x128xf32, #tpu.memory_space<vmem_shared>>
      tpu.wait_indirect_dma semaphore(%arg25 : memref<!tpu.dma_semaphore, #tpu.memory_space<semaphore_mem>>) src(%dma_wait3A_318 : memref<10000x128xf32, #tpu.memory_space<vmem_shared>>) dst(%arg13 : memref<64x128xf32, #tpu.memory_space<vmem>>)
      %mul3A_319 = arith.constant 64 : i32
      %mul3A_320 = arith.muli %add3A_242, %mul3A_319 : i32
      %dma_start3A = arith.constant 0 : i32
      %dma_start3A_321 = tpu.memref_slice %arg4[%mul3A_320, %dma_start3A] : memref<320000x128xf32, #tpu.memory_space<hbm>> -> memref<64x128xf32, #tpu.memory_space<hbm>>
      %dma_start3A_322 = arith.constant 0 : i32
      %dma_start3A_323 = tpu.memref_slice %arg4[%mul3A_320, %dma_start3A_322] : memref<320000x128xf32, #tpu.memory_space<hbm>> -> memref<64x128xf32, #tpu.memory_space<hbm>>
      tpu.enqueue_dma source(%arg13 : memref<64x128xf32, #tpu.memory_space<vmem>>) target(%dma_start3A_323 : memref<64x128xf32, #tpu.memory_space<hbm>>) target_semaphore(%arg31 : memref<!tpu.dma_semaphore, #tpu.memory_space<semaphore_mem>>)
      %add3A_324 = arith.constant 256 : i32
      %add3A_325 = arith.addi %add3A_324, %add3A : i32
      %lt3A_326 = arith.constant 5000 : i32
      %lt3A_327 = arith.cmpi slt, %add3A_325, %lt3A_326 : i32
      %convert_element_type3A_328 = arith.extui %lt3A_327 : i1 to i32
      %cond3A_329 = arith.constant 0 : i32
      %cond3A_330 = arith.cmpi ne, %convert_element_type3A_328, %cond3A_329 : i32
      scf.if %cond3A_330 {
        %mul3A_331 = arith.constant 64 : i32
        %mul3A_332 = arith.muli %add3A_325, %mul3A_331 : i32
        %dma_start3A_333 = tpu.memref_slice %arg3[%mul3A_332] : memref<320000xi32, #tpu.memory_space<hbm>> -> memref<64xi32, #tpu.memory_space<hbm>>
        %dma_start3A_334 = tpu.memref_slice %arg3[%mul3A_332] : memref<320000xi32, #tpu.memory_space<hbm>> -> memref<64xi32, #tpu.memory_space<hbm>>
        tpu.enqueue_dma source(%dma_start3A_334 : memref<64xi32, #tpu.memory_space<hbm>>) target(%arg7 : memref<64xi32, #tpu.memory_space<vmem>>) target_semaphore(%arg19 : memref<!tpu.dma_semaphore, #tpu.memory_space<semaphore_mem>>)
      } else {
      }
    } else {
    }
    %add3A_248 = arith.constant 128 : i32
    %add3A_249 = arith.addi %add3A_248, %add3A : i32
    %lt3A_250 = arith.constant 5000 : i32
    %lt3A_251 = arith.cmpi slt, %add3A_249, %lt3A_250 : i32
    %convert_element_type3A_252 = arith.extui %lt3A_251 : i1 to i32
    %cond3A_253 = arith.constant 0 : i32
    %cond3A_254 = arith.cmpi ne, %convert_element_type3A_252, %cond3A_253 : i32
    scf.if %cond3A_254 {
      %dma_wait3A_316 = arith.constant 0 : i32
      %dma_wait3A_317 = tpu.memref_slice %arg3[%dma_wait3A_316] : memref<320000xi32, #tpu.memory_space<hbm>> -> memref<64xi32, #tpu.memory_space<hbm>>
      %dma_wait3A_318 = arith.constant 0 : i32
      %dma_wait3A_319 = tpu.memref_slice %arg3[%dma_wait3A_318] : memref<320000xi32, #tpu.memory_space<hbm>> -> memref<64xi32, #tpu.memory_space<hbm>>
      tpu.wait_dma2 semaphore(%arg21 : memref<!tpu.dma_semaphore, #tpu.memory_space<semaphore_mem>>) src(%dma_wait3A_319 : memref<64xi32, #tpu.memory_space<hbm>>) dst(%arg9 : memref<64xi32, #tpu.memory_space<vmem>>)
      %dma_start3A = arith.constant 0 : i32
      %dma_start3A_320 = arith.constant 0 : i32
      %dma_start3A_321 = tpu.memref_slice %arg35[%dma_start3A, %dma_start3A_320] : memref<10000x128xf32, #tpu.memory_space<vmem_shared>> -> memref<10000x128xf32, #tpu.memory_space<vmem_shared>>
      tpu.enqueue_indirect_dma source(%dma_start3A_321 : memref<10000x128xf32, #tpu.memory_space<vmem_shared>>) target(%arg15 : memref<64x128xf32, #tpu.memory_space<vmem>>) offsets(%arg9 : memref<64xi32, #tpu.memory_space<vmem>>) semaphore(%arg27 : memref<!tpu.dma_semaphore, #tpu.memory_space<semaphore_mem>>)
    } else {
    }
    %add3A_255 = arith.constant 96 : i32
    %add3A_256 = arith.addi %add3A_255, %add3A : i32
    %lt3A_257 = arith.constant 5000 : i32
    %lt3A_258 = arith.cmpi slt, %add3A_256, %lt3A_257 : i32
    %convert_element_type3A_259 = arith.extui %lt3A_258 : i1 to i32
    %cond3A_260 = arith.constant 0 : i32
    %cond3A_261 = arith.cmpi ne, %convert_element_type3A_259, %cond3A_260 : i32
    scf.if %cond3A_261 {
      %dma_wait3A_316 = arith.constant 0 : i32
      %dma_wait3A_317 = arith.constant 0 : i32
      %dma_wait3A_318 = tpu.memref_slice %arg35[%dma_wait3A_316, %dma_wait3A_317] : memref<10000x128xf32, #tpu.memory_space<vmem_shared>> -> memref<10000x128xf32, #tpu.memory_space<vmem_shared>>
      tpu.wait_indirect_dma semaphore(%arg26 : memref<!tpu.dma_semaphore, #tpu.memory_space<semaphore_mem>>) src(%dma_wait3A_318 : memref<10000x128xf32, #tpu.memory_space<vmem_shared>>) dst(%arg14 : memref<64x128xf32, #tpu.memory_space<vmem>>)
      %mul3A_319 = arith.constant 64 : i32
      %mul3A_320 = arith.muli %add3A_256, %mul3A_319 : i32
      %dma_start3A = arith.constant 0 : i32
      %dma_start3A_321 = tpu.memref_slice %arg4[%mul3A_320, %dma_start3A] : memref<320000x128xf32, #tpu.memory_space<hbm>> -> memref<64x128xf32, #tpu.memory_space<hbm>>
      %dma_start3A_322 = arith.constant 0 : i32
      %dma_start3A_323 = tpu.memref_slice %arg4[%mul3A_320, %dma_start3A_322] : memref<320000x128xf32, #tpu.memory_space<hbm>> -> memref<64x128xf32, #tpu.memory_space<hbm>>
      tpu.enqueue_dma source(%arg14 : memref<64x128xf32, #tpu.memory_space<vmem>>) target(%dma_start3A_323 : memref<64x128xf32, #tpu.memory_space<hbm>>) target_semaphore(%arg32 : memref<!tpu.dma_semaphore, #tpu.memory_space<semaphore_mem>>)
      %add3A_324 = arith.constant 288 : i32
      %add3A_325 = arith.addi %add3A_324, %add3A : i32
      %lt3A_326 = arith.constant 5000 : i32
      %lt3A_327 = arith.cmpi slt, %add3A_325, %lt3A_326 : i32
      %convert_element_type3A_328 = arith.extui %lt3A_327 : i1 to i32
      %cond3A_329 = arith.constant 0 : i32
      %cond3A_330 = arith.cmpi ne, %convert_element_type3A_328, %cond3A_329 : i32
      scf.if %cond3A_330 {
        %mul3A_331 = arith.constant 64 : i32
        %mul3A_332 = arith.muli %add3A_325, %mul3A_331 : i32
        %dma_start3A_333 = tpu.memref_slice %arg3[%mul3A_332] : memref<320000xi32, #tpu.memory_space<hbm>> -> memref<64xi32, #tpu.memory_space<hbm>>
        %dma_start3A_334 = tpu.memref_slice %arg3[%mul3A_332] : memref<320000xi32, #tpu.memory_space<hbm>> -> memref<64xi32, #tpu.memory_space<hbm>>
        tpu.enqueue_dma source(%dma_start3A_334 : memref<64xi32, #tpu.memory_space<hbm>>) target(%arg8 : memref<64xi32, #tpu.memory_space<vmem>>) target_semaphore(%arg20 : memref<!tpu.dma_semaphore, #tpu.memory_space<semaphore_mem>>)
      } else {
      }
    } else {
    }
    %add3A_262 = arith.constant 160 : i32
    %add3A_263 = arith.addi %add3A_262, %add3A : i32
    %lt3A_264 = arith.constant 5000 : i32
    %lt3A_265 = arith.cmpi slt, %add3A_263, %lt3A_264 : i32
    %convert_element_type3A_266 = arith.extui %lt3A_265 : i1 to i32
    %cond3A_267 = arith.constant 0 : i32
    %cond3A_268 = arith.cmpi ne, %convert_element_type3A_266, %cond3A_267 : i32
    scf.if %cond3A_268 {
      %dma_wait3A_316 = arith.constant 0 : i32
      %dma_wait3A_317 = tpu.memref_slice %arg3[%dma_wait3A_316] : memref<320000xi32, #tpu.memory_space<hbm>> -> memref<64xi32, #tpu.memory_space<hbm>>
      %dma_wait3A_318 = arith.constant 0 : i32
      %dma_wait3A_319 = tpu.memref_slice %arg3[%dma_wait3A_318] : memref<320000xi32, #tpu.memory_space<hbm>> -> memref<64xi32, #tpu.memory_space<hbm>>
      tpu.wait_dma2 semaphore(%arg22 : memref<!tpu.dma_semaphore, #tpu.memory_space<semaphore_mem>>) src(%dma_wait3A_319 : memref<64xi32, #tpu.memory_space<hbm>>) dst(%arg10 : memref<64xi32, #tpu.memory_space<vmem>>)
      %dma_start3A = arith.constant 0 : i32
      %dma_start3A_320 = arith.constant 0 : i32
      %dma_start3A_321 = tpu.memref_slice %arg35[%dma_start3A, %dma_start3A_320] : memref<10000x128xf32, #tpu.memory_space<vmem_shared>> -> memref<10000x128xf32, #tpu.memory_space<vmem_shared>>
      tpu.enqueue_indirect_dma source(%dma_start3A_321 : memref<10000x128xf32, #tpu.memory_space<vmem_shared>>) target(%arg16 : memref<64x128xf32, #tpu.memory_space<vmem>>) offsets(%arg10 : memref<64xi32, #tpu.memory_space<vmem>>) semaphore(%arg28 : memref<!tpu.dma_semaphore, #tpu.memory_space<semaphore_mem>>)
    } else {
    }
    %add3A_269 = arith.constant 128 : i32
    %add3A_270 = arith.addi %add3A_269, %add3A : i32
    %lt3A_271 = arith.constant 5000 : i32
    %lt3A_272 = arith.cmpi slt, %add3A_270, %lt3A_271 : i32
    %convert_element_type3A_273 = arith.extui %lt3A_272 : i1 to i32
    %cond3A_274 = arith.constant 0 : i32
    %cond3A_275 = arith.cmpi ne, %convert_element_type3A_273, %cond3A_274 : i32
    scf.if %cond3A_275 {
      %dma_wait3A_316 = arith.constant 0 : i32
      %dma_wait3A_317 = arith.constant 0 : i32
      %dma_wait3A_318 = tpu.memref_slice %arg35[%dma_wait3A_316, %dma_wait3A_317] : memref<10000x128xf32, #tpu.memory_space<vmem_shared>> -> memref<10000x128xf32, #tpu.memory_space<vmem_shared>>
      tpu.wait_indirect_dma semaphore(%arg27 : memref<!tpu.dma_semaphore, #tpu.memory_space<semaphore_mem>>) src(%dma_wait3A_318 : memref<10000x128xf32, #tpu.memory_space<vmem_shared>>) dst(%arg15 : memref<64x128xf32, #tpu.memory_space<vmem>>)
      %mul3A_319 = arith.constant 64 : i32
      %mul3A_320 = arith.muli %add3A_270, %mul3A_319 : i32
      %dma_start3A = arith.constant 0 : i32
      %dma_start3A_321 = tpu.memref_slice %arg4[%mul3A_320, %dma_start3A] : memref<320000x128xf32, #tpu.memory_space<hbm>> -> memref<64x128xf32, #tpu.memory_space<hbm>>
      %dma_start3A_322 = arith.constant 0 : i32
      %dma_start3A_323 = tpu.memref_slice %arg4[%mul3A_320, %dma_start3A_322] : memref<320000x128xf32, #tpu.memory_space<hbm>> -> memref<64x128xf32, #tpu.memory_space<hbm>>
      tpu.enqueue_dma source(%arg15 : memref<64x128xf32, #tpu.memory_space<vmem>>) target(%dma_start3A_323 : memref<64x128xf32, #tpu.memory_space<hbm>>) target_semaphore(%arg33 : memref<!tpu.dma_semaphore, #tpu.memory_space<semaphore_mem>>)
      %add3A_324 = arith.constant 320 : i32
      %add3A_325 = arith.addi %add3A_324, %add3A : i32
      %lt3A_326 = arith.constant 5000 : i32
      %lt3A_327 = arith.cmpi slt, %add3A_325, %lt3A_326 : i32
      %convert_element_type3A_328 = arith.extui %lt3A_327 : i1 to i32
      %cond3A_329 = arith.constant 0 : i32
      %cond3A_330 = arith.cmpi ne, %convert_element_type3A_328, %cond3A_329 : i32
      scf.if %cond3A_330 {
        %mul3A_331 = arith.constant 64 : i32
        %mul3A_332 = arith.muli %add3A_325, %mul3A_331 : i32
        %dma_start3A_333 = tpu.memref_slice %arg3[%mul3A_332] : memref<320000xi32, #tpu.memory_space<hbm>> -> memref<64xi32, #tpu.memory_space<hbm>>
        %dma_start3A_334 = tpu.memref_slice %arg3[%mul3A_332] : memref<320000xi32, #tpu.memory_space<hbm>> -> memref<64xi32, #tpu.memory_space<hbm>>
        tpu.enqueue_dma source(%dma_start3A_334 : memref<64xi32, #tpu.memory_space<hbm>>) target(%arg9 : memref<64xi32, #tpu.memory_space<vmem>>) target_semaphore(%arg21 : memref<!tpu.dma_semaphore, #tpu.memory_space<semaphore_mem>>)
      } else {
      }
    } else {
    }
    %scan3A = arith.constant 0 : i32
    %scan3A_276 = arith.constant 1 : i32
    %scan3A_277 = arith.constant 26 : i32
    %scan3A_278 = arith.addi %scan3A_276, %scan3A_277 : i32
    %scan3A_279 = arith.constant 1 : i32
    scf.for %scan3A_316 = %scan3A_276 to %scan3A_278 step %scan3A_279  : i32 {
      %mul3A_317 = arith.constant 6 : i32
      %mul3A_318 = arith.muli %scan3A_316, %mul3A_317 : i32
      %add3A_319 = arith.constant 0 : i32
      %add3A_320 = arith.addi %mul3A_318, %add3A_319 : i32
      %mul3A_321 = arith.constant 32 : i32
      %mul3A_322 = arith.muli %add3A_320, %mul3A_321 : i32
      %add3A_323 = arith.addi %mul3A_322, %add3A : i32
      %lt3A_324 = arith.constant 5000 : i32
      %lt3A_325 = arith.cmpi slt, %add3A_323, %lt3A_324 : i32
      %convert_element_type3A_326 = arith.extui %lt3A_325 : i1 to i32
      %cond3A_327 = arith.constant 0 : i32
      %cond3A_328 = arith.cmpi ne, %convert_element_type3A_326, %cond3A_327 : i32
      scf.if %cond3A_328 {
        %dma_wait3A_448 = arith.constant 0 : i32
        %dma_wait3A_449 = arith.constant 0 : i32
        %dma_wait3A_450 = tpu.memref_slice %arg4[%dma_wait3A_448, %dma_wait3A_449] : memref<320000x128xf32, #tpu.memory_space<hbm>> -> memref<64x128xf32, #tpu.memory_space<hbm>>
        %dma_wait3A_451 = arith.constant 0 : i32
        %dma_wait3A_452 = arith.constant 0 : i32
        %dma_wait3A_453 = tpu.memref_slice %arg4[%dma_wait3A_451, %dma_wait3A_452] : memref<320000x128xf32, #tpu.memory_space<hbm>> -> memref<64x128xf32, #tpu.memory_space<hbm>>
        tpu.wait_dma2 semaphore(%arg29 : memref<!tpu.dma_semaphore, #tpu.memory_space<semaphore_mem>>) src(%arg11 : memref<64x128xf32, #tpu.memory_space<vmem>>) dst(%dma_wait3A_453 : memref<64x128xf32, #tpu.memory_space<hbm>>)
        %dma_wait3A_454 = arith.constant 0 : i32
        %dma_wait3A_455 = tpu.memref_slice %arg3[%dma_wait3A_454] : memref<320000xi32, #tpu.memory_space<hbm>> -> memref<64xi32, #tpu.memory_space<hbm>>
        %dma_wait3A_456 = arith.constant 0 : i32
        %dma_wait3A_457 = tpu.memref_slice %arg3[%dma_wait3A_456] : memref<320000xi32, #tpu.memory_space<hbm>> -> memref<64xi32, #tpu.memory_space<hbm>>
        tpu.wait_dma2 semaphore(%arg17 : memref<!tpu.dma_semaphore, #tpu.memory_space<semaphore_mem>>) src(%dma_wait3A_457 : memref<64xi32, #tpu.memory_space<hbm>>) dst(%arg5 : memref<64xi32, #tpu.memory_space<vmem>>)
        %dma_start3A = arith.constant 0 : i32
        %dma_start3A_458 = arith.constant 0 : i32
        %dma_start3A_459 = tpu.memref_slice %arg35[%dma_start3A, %dma_start3A_458] : memref<10000x128xf32, #tpu.memory_space<vmem_shared>> -> memref<10000x128xf32, #tpu.memory_space<vmem_shared>>
        tpu.enqueue_indirect_dma source(%dma_start3A_459 : memref<10000x128xf32, #tpu.memory_space<vmem_shared>>) target(%arg11 : memref<64x128xf32, #tpu.memory_space<vmem>>) offsets(%arg5 : memref<64xi32, #tpu.memory_space<vmem>>) semaphore(%arg23 : memref<!tpu.dma_semaphore, #tpu.memory_space<semaphore_mem>>)
      } else {
      }
      %sub3A = arith.constant 1 : i32
      %sub3A_329 = arith.subi %add3A_320, %sub3A : i32
      %mul3A_330 = arith.constant 32 : i32
      %mul3A_331 = arith.muli %sub3A_329, %mul3A_330 : i32
      %add3A_332 = arith.addi %mul3A_331, %add3A : i32
      %lt3A_333 = arith.constant 5000 : i32
      %lt3A_334 = arith.cmpi slt, %add3A_332, %lt3A_333 : i32
      %convert_element_type3A_335 = arith.extui %lt3A_334 : i1 to i32
      %cond3A_336 = arith.constant 0 : i32
      %cond3A_337 = arith.cmpi ne, %convert_element_type3A_335, %cond3A_336 : i32
      scf.if %cond3A_337 {
        %dma_wait3A_448 = arith.constant 0 : i32
        %dma_wait3A_449 = arith.constant 0 : i32
        %dma_wait3A_450 = tpu.memref_slice %arg35[%dma_wait3A_448, %dma_wait3A_449] : memref<10000x128xf32, #tpu.memory_space<vmem_shared>> -> memref<10000x128xf32, #tpu.memory_space<vmem_shared>>
        tpu.wait_indirect_dma semaphore(%arg28 : memref<!tpu.dma_semaphore, #tpu.memory_space<semaphore_mem>>) src(%dma_wait3A_450 : memref<10000x128xf32, #tpu.memory_space<vmem_shared>>) dst(%arg16 : memref<64x128xf32, #tpu.memory_space<vmem>>)
        %mul3A_451 = arith.constant 64 : i32
        %mul3A_452 = arith.muli %add3A_332, %mul3A_451 : i32
        %dma_start3A = arith.constant 0 : i32
        %dma_start3A_453 = tpu.memref_slice %arg4[%mul3A_452, %dma_start3A] : memref<320000x128xf32, #tpu.memory_space<hbm>> -> memref<64x128xf32, #tpu.memory_space<hbm>>
        %dma_start3A_454 = arith.constant 0 : i32
        %dma_start3A_455 = tpu.memref_slice %arg4[%mul3A_452, %dma_start3A_454] : memref<320000x128xf32, #tpu.memory_space<hbm>> -> memref<64x128xf32, #tpu.memory_space<hbm>>
        tpu.enqueue_dma source(%arg16 : memref<64x128xf32, #tpu.memory_space<vmem>>) target(%dma_start3A_455 : memref<64x128xf32, #tpu.memory_space<hbm>>) target_semaphore(%arg34 : memref<!tpu.dma_semaphore, #tpu.memory_space<semaphore_mem>>)
        %sub3A_456 = arith.constant 1 : i32
        %sub3A_457 = arith.subi %add3A_320, %sub3A_456 : i32
        %add3A_458 = arith.constant 6 : i32
        %add3A_459 = arith.addi %sub3A_457, %add3A_458 : i32
        %mul3A_460 = arith.constant 32 : i32
        %mul3A_461 = arith.muli %add3A_459, %mul3A_460 : i32
        %add3A_462 = arith.addi %mul3A_461, %add3A : i32
        %lt3A_463 = arith.constant 5000 : i32
        %lt3A_464 = arith.cmpi slt, %add3A_462, %lt3A_463 : i32
        %convert_element_type3A_465 = arith.extui %lt3A_464 : i1 to i32
        %cond3A_466 = arith.constant 0 : i32
        %cond3A_467 = arith.cmpi ne, %convert_element_type3A_465, %cond3A_466 : i32
        scf.if %cond3A_467 {
          %mul3A_468 = arith.constant 64 : i32
          %mul3A_469 = arith.muli %add3A_462, %mul3A_468 : i32
          %dma_start3A_470 = tpu.memref_slice %arg3[%mul3A_469] : memref<320000xi32, #tpu.memory_space<hbm>> -> memref<64xi32, #tpu.memory_space<hbm>>
          %dma_start3A_471 = tpu.memref_slice %arg3[%mul3A_469] : memref<320000xi32, #tpu.memory_space<hbm>> -> memref<64xi32, #tpu.memory_space<hbm>>
          tpu.enqueue_dma source(%dma_start3A_471 : memref<64xi32, #tpu.memory_space<hbm>>) target(%arg10 : memref<64xi32, #tpu.memory_space<vmem>>) target_semaphore(%arg22 : memref<!tpu.dma_semaphore, #tpu.memory_space<semaphore_mem>>)
        } else {
        }
      } else {
      }
      %mul3A_338 = arith.constant 6 : i32
      %mul3A_339 = arith.muli %scan3A_316, %mul3A_338 : i32
      %add3A_340 = arith.constant 1 : i32
      %add3A_341 = arith.addi %mul3A_339, %add3A_340 : i32
      %mul3A_342 = arith.constant 32 : i32
      %mul3A_343 = arith.muli %add3A_341, %mul3A_342 : i32
      %add3A_344 = arith.addi %mul3A_343, %add3A : i32
      %lt3A_345 = arith.constant 5000 : i32
      %lt3A_346 = arith.cmpi slt, %add3A_344, %lt3A_345 : i32
      %convert_element_type3A_347 = arith.extui %lt3A_346 : i1 to i32
      %cond3A_348 = arith.constant 0 : i32
      %cond3A_349 = arith.cmpi ne, %convert_element_type3A_347, %cond3A_348 : i32
      scf.if %cond3A_349 {
        %dma_wait3A_448 = arith.constant 0 : i32
        %dma_wait3A_449 = arith.constant 0 : i32
        %dma_wait3A_450 = tpu.memref_slice %arg4[%dma_wait3A_448, %dma_wait3A_449] : memref<320000x128xf32, #tpu.memory_space<hbm>> -> memref<64x128xf32, #tpu.memory_space<hbm>>
        %dma_wait3A_451 = arith.constant 0 : i32
        %dma_wait3A_452 = arith.constant 0 : i32
        %dma_wait3A_453 = tpu.memref_slice %arg4[%dma_wait3A_451, %dma_wait3A_452] : memref<320000x128xf32, #tpu.memory_space<hbm>> -> memref<64x128xf32, #tpu.memory_space<hbm>>
        tpu.wait_dma2 semaphore(%arg30 : memref<!tpu.dma_semaphore, #tpu.memory_space<semaphore_mem>>) src(%arg12 : memref<64x128xf32, #tpu.memory_space<vmem>>) dst(%dma_wait3A_453 : memref<64x128xf32, #tpu.memory_space<hbm>>)
        %dma_wait3A_454 = arith.constant 0 : i32
        %dma_wait3A_455 = tpu.memref_slice %arg3[%dma_wait3A_454] : memref<320000xi32, #tpu.memory_space<hbm>> -> memref<64xi32, #tpu.memory_space<hbm>>
        %dma_wait3A_456 = arith.constant 0 : i32
        %dma_wait3A_457 = tpu.memref_slice %arg3[%dma_wait3A_456] : memref<320000xi32, #tpu.memory_space<hbm>> -> memref<64xi32, #tpu.memory_space<hbm>>
        tpu.wait_dma2 semaphore(%arg18 : memref<!tpu.dma_semaphore, #tpu.memory_space<semaphore_mem>>) src(%dma_wait3A_457 : memref<64xi32, #tpu.memory_space<hbm>>) dst(%arg6 : memref<64xi32, #tpu.memory_space<vmem>>)
        %dma_start3A = arith.constant 0 : i32
        %dma_start3A_458 = arith.constant 0 : i32
        %dma_start3A_459 = tpu.memref_slice %arg35[%dma_start3A, %dma_start3A_458] : memref<10000x128xf32, #tpu.memory_space<vmem_shared>> -> memref<10000x128xf32, #tpu.memory_space<vmem_shared>>
        tpu.enqueue_indirect_dma source(%dma_start3A_459 : memref<10000x128xf32, #tpu.memory_space<vmem_shared>>) target(%arg12 : memref<64x128xf32, #tpu.memory_space<vmem>>) offsets(%arg6 : memref<64xi32, #tpu.memory_space<vmem>>) semaphore(%arg24 : memref<!tpu.dma_semaphore, #tpu.memory_space<semaphore_mem>>)
      } else {
      }
      %sub3A_350 = arith.constant 1 : i32
      %sub3A_351 = arith.subi %add3A_341, %sub3A_350 : i32
      %mul3A_352 = arith.constant 32 : i32
      %mul3A_353 = arith.muli %sub3A_351, %mul3A_352 : i32
      %add3A_354 = arith.addi %mul3A_353, %add3A : i32
      %lt3A_355 = arith.constant 5000 : i32
      %lt3A_356 = arith.cmpi slt, %add3A_354, %lt3A_355 : i32
      %convert_element_type3A_357 = arith.extui %lt3A_356 : i1 to i32
      %cond3A_358 = arith.constant 0 : i32
      %cond3A_359 = arith.cmpi ne, %convert_element_type3A_357, %cond3A_358 : i32
      scf.if %cond3A_359 {
        %dma_wait3A_448 = arith.constant 0 : i32
        %dma_wait3A_449 = arith.constant 0 : i32
        %dma_wait3A_450 = tpu.memref_slice %arg35[%dma_wait3A_448, %dma_wait3A_449] : memref<10000x128xf32, #tpu.memory_space<vmem_shared>> -> memref<10000x128xf32, #tpu.memory_space<vmem_shared>>
        tpu.wait_indirect_dma semaphore(%arg23 : memref<!tpu.dma_semaphore, #tpu.memory_space<semaphore_mem>>) src(%dma_wait3A_450 : memref<10000x128xf32, #tpu.memory_space<vmem_shared>>) dst(%arg11 : memref<64x128xf32, #tpu.memory_space<vmem>>)
        %mul3A_451 = arith.constant 64 : i32
        %mul3A_452 = arith.muli %add3A_354, %mul3A_451 : i32
        %dma_start3A = arith.constant 0 : i32
        %dma_start3A_453 = tpu.memref_slice %arg4[%mul3A_452, %dma_start3A] : memref<320000x128xf32, #tpu.memory_space<hbm>> -> memref<64x128xf32, #tpu.memory_space<hbm>>
        %dma_start3A_454 = arith.constant 0 : i32
        %dma_start3A_455 = tpu.memref_slice %arg4[%mul3A_452, %dma_start3A_454] : memref<320000x128xf32, #tpu.memory_space<hbm>> -> memref<64x128xf32, #tpu.memory_space<hbm>>
        tpu.enqueue_dma source(%arg11 : memref<64x128xf32, #tpu.memory_space<vmem>>) target(%dma_start3A_455 : memref<64x128xf32, #tpu.memory_space<hbm>>) target_semaphore(%arg29 : memref<!tpu.dma_semaphore, #tpu.memory_space<semaphore_mem>>)
        %sub3A_456 = arith.constant 1 : i32
        %sub3A_457 = arith.subi %add3A_341, %sub3A_456 : i32
        %add3A_458 = arith.constant 6 : i32
        %add3A_459 = arith.addi %sub3A_457, %add3A_458 : i32
        %mul3A_460 = arith.constant 32 : i32
        %mul3A_461 = arith.muli %add3A_459, %mul3A_460 : i32
        %add3A_462 = arith.addi %mul3A_461, %add3A : i32
        %lt3A_463 = arith.constant 5000 : i32
        %lt3A_464 = arith.cmpi slt, %add3A_462, %lt3A_463 : i32
        %convert_element_type3A_465 = arith.extui %lt3A_464 : i1 to i32
        %cond3A_466 = arith.constant 0 : i32
        %cond3A_467 = arith.cmpi ne, %convert_element_type3A_465, %cond3A_466 : i32
        scf.if %cond3A_467 {
          %mul3A_468 = arith.constant 64 : i32
          %mul3A_469 = arith.muli %add3A_462, %mul3A_468 : i32
          %dma_start3A_470 = tpu.memref_slice %arg3[%mul3A_469] : memref<320000xi32, #tpu.memory_space<hbm>> -> memref<64xi32, #tpu.memory_space<hbm>>
          %dma_start3A_471 = tpu.memref_slice %arg3[%mul3A_469] : memref<320000xi32, #tpu.memory_space<hbm>> -> memref<64xi32, #tpu.memory_space<hbm>>
          tpu.enqueue_dma source(%dma_start3A_471 : memref<64xi32, #tpu.memory_space<hbm>>) target(%arg5 : memref<64xi32, #tpu.memory_space<vmem>>) target_semaphore(%arg17 : memref<!tpu.dma_semaphore, #tpu.memory_space<semaphore_mem>>)
        } else {
        }
      } else {
      }
      %mul3A_360 = arith.constant 6 : i32
      %mul3A_361 = arith.muli %scan3A_316, %mul3A_360 : i32
      %add3A_362 = arith.constant 2 : i32
      %add3A_363 = arith.addi %mul3A_361, %add3A_362 : i32
      %mul3A_364 = arith.constant 32 : i32
      %mul3A_365 = arith.muli %add3A_363, %mul3A_364 : i32
      %add3A_366 = arith.addi %mul3A_365, %add3A : i32
      %lt3A_367 = arith.constant 5000 : i32
      %lt3A_368 = arith.cmpi slt, %add3A_366, %lt3A_367 : i32
      %convert_element_type3A_369 = arith.extui %lt3A_368 : i1 to i32
      %cond3A_370 = arith.constant 0 : i32
      %cond3A_371 = arith.cmpi ne, %convert_element_type3A_369, %cond3A_370 : i32
      scf.if %cond3A_371 {
        %dma_wait3A_448 = arith.constant 0 : i32
        %dma_wait3A_449 = arith.constant 0 : i32
        %dma_wait3A_450 = tpu.memref_slice %arg4[%dma_wait3A_448, %dma_wait3A_449] : memref<320000x128xf32, #tpu.memory_space<hbm>> -> memref<64x128xf32, #tpu.memory_space<hbm>>
        %dma_wait3A_451 = arith.constant 0 : i32
        %dma_wait3A_452 = arith.constant 0 : i32
        %dma_wait3A_453 = tpu.memref_slice %arg4[%dma_wait3A_451, %dma_wait3A_452] : memref<320000x128xf32, #tpu.memory_space<hbm>> -> memref<64x128xf32, #tpu.memory_space<hbm>>
        tpu.wait_dma2 semaphore(%arg31 : memref<!tpu.dma_semaphore, #tpu.memory_space<semaphore_mem>>) src(%arg13 : memref<64x128xf32, #tpu.memory_space<vmem>>) dst(%dma_wait3A_453 : memref<64x128xf32, #tpu.memory_space<hbm>>)
        %dma_wait3A_454 = arith.constant 0 : i32
        %dma_wait3A_455 = tpu.memref_slice %arg3[%dma_wait3A_454] : memref<320000xi32, #tpu.memory_space<hbm>> -> memref<64xi32, #tpu.memory_space<hbm>>
        %dma_wait3A_456 = arith.constant 0 : i32
        %dma_wait3A_457 = tpu.memref_slice %arg3[%dma_wait3A_456] : memref<320000xi32, #tpu.memory_space<hbm>> -> memref<64xi32, #tpu.memory_space<hbm>>
        tpu.wait_dma2 semaphore(%arg19 : memref<!tpu.dma_semaphore, #tpu.memory_space<semaphore_mem>>) src(%dma_wait3A_457 : memref<64xi32, #tpu.memory_space<hbm>>) dst(%arg7 : memref<64xi32, #tpu.memory_space<vmem>>)
        %dma_start3A = arith.constant 0 : i32
        %dma_start3A_458 = arith.constant 0 : i32
        %dma_start3A_459 = tpu.memref_slice %arg35[%dma_start3A, %dma_start3A_458] : memref<10000x128xf32, #tpu.memory_space<vmem_shared>> -> memref<10000x128xf32, #tpu.memory_space<vmem_shared>>
        tpu.enqueue_indirect_dma source(%dma_start3A_459 : memref<10000x128xf32, #tpu.memory_space<vmem_shared>>) target(%arg13 : memref<64x128xf32, #tpu.memory_space<vmem>>) offsets(%arg7 : memref<64xi32, #tpu.memory_space<vmem>>) semaphore(%arg25 : memref<!tpu.dma_semaphore, #tpu.memory_space<semaphore_mem>>)
      } else {
      }
      %sub3A_372 = arith.constant 1 : i32
      %sub3A_373 = arith.subi %add3A_363, %sub3A_372 : i32
      %mul3A_374 = arith.constant 32 : i32
      %mul3A_375 = arith.muli %sub3A_373, %mul3A_374 : i32
      %add3A_376 = arith.addi %mul3A_375, %add3A : i32
      %lt3A_377 = arith.constant 5000 : i32
      %lt3A_378 = arith.cmpi slt, %add3A_376, %lt3A_377 : i32
      %convert_element_type3A_379 = arith.extui %lt3A_378 : i1 to i32
      %cond3A_380 = arith.constant 0 : i32
      %cond3A_381 = arith.cmpi ne, %convert_element_type3A_379, %cond3A_380 : i32
      scf.if %cond3A_381 {
        %dma_wait3A_448 = arith.constant 0 : i32
        %dma_wait3A_449 = arith.constant 0 : i32
        %dma_wait3A_450 = tpu.memref_slice %arg35[%dma_wait3A_448, %dma_wait3A_449] : memref<10000x128xf32, #tpu.memory_space<vmem_shared>> -> memref<10000x128xf32, #tpu.memory_space<vmem_shared>>
        tpu.wait_indirect_dma semaphore(%arg24 : memref<!tpu.dma_semaphore, #tpu.memory_space<semaphore_mem>>) src(%dma_wait3A_450 : memref<10000x128xf32, #tpu.memory_space<vmem_shared>>) dst(%arg12 : memref<64x128xf32, #tpu.memory_space<vmem>>)
        %mul3A_451 = arith.constant 64 : i32
        %mul3A_452 = arith.muli %add3A_376, %mul3A_451 : i32
        %dma_start3A = arith.constant 0 : i32
        %dma_start3A_453 = tpu.memref_slice %arg4[%mul3A_452, %dma_start3A] : memref<320000x128xf32, #tpu.memory_space<hbm>> -> memref<64x128xf32, #tpu.memory_space<hbm>>
        %dma_start3A_454 = arith.constant 0 : i32
        %dma_start3A_455 = tpu.memref_slice %arg4[%mul3A_452, %dma_start3A_454] : memref<320000x128xf32, #tpu.memory_space<hbm>> -> memref<64x128xf32, #tpu.memory_space<hbm>>
        tpu.enqueue_dma source(%arg12 : memref<64x128xf32, #tpu.memory_space<vmem>>) target(%dma_start3A_455 : memref<64x128xf32, #tpu.memory_space<hbm>>) target_semaphore(%arg30 : memref<!tpu.dma_semaphore, #tpu.memory_space<semaphore_mem>>)
        %sub3A_456 = arith.constant 1 : i32
        %sub3A_457 = arith.subi %add3A_363, %sub3A_456 : i32
        %add3A_458 = arith.constant 6 : i32
        %add3A_459 = arith.addi %sub3A_457, %add3A_458 : i32
        %mul3A_460 = arith.constant 32 : i32
        %mul3A_461 = arith.muli %add3A_459, %mul3A_460 : i32
        %add3A_462 = arith.addi %mul3A_461, %add3A : i32
        %lt3A_463 = arith.constant 5000 : i32
        %lt3A_464 = arith.cmpi slt, %add3A_462, %lt3A_463 : i32
        %convert_element_type3A_465 = arith.extui %lt3A_464 : i1 to i32
        %cond3A_466 = arith.constant 0 : i32
        %cond3A_467 = arith.cmpi ne, %convert_element_type3A_465, %cond3A_466 : i32
        scf.if %cond3A_467 {
          %mul3A_468 = arith.constant 64 : i32
          %mul3A_469 = arith.muli %add3A_462, %mul3A_468 : i32
          %dma_start3A_470 = tpu.memref_slice %arg3[%mul3A_469] : memref<320000xi32, #tpu.memory_space<hbm>> -> memref<64xi32, #tpu.memory_space<hbm>>
          %dma_start3A_471 = tpu.memref_slice %arg3[%mul3A_469] : memref<320000xi32, #tpu.memory_space<hbm>> -> memref<64xi32, #tpu.memory_space<hbm>>
          tpu.enqueue_dma source(%dma_start3A_471 : memref<64xi32, #tpu.memory_space<hbm>>) target(%arg6 : memref<64xi32, #tpu.memory_space<vmem>>) target_semaphore(%arg18 : memref<!tpu.dma_semaphore, #tpu.memory_space<semaphore_mem>>)
        } else {
        }
      } else {
      }
      %mul3A_382 = arith.constant 6 : i32
      %mul3A_383 = arith.muli %scan3A_316, %mul3A_382 : i32
      %add3A_384 = arith.constant 3 : i32
      %add3A_385 = arith.addi %mul3A_383, %add3A_384 : i32
      %mul3A_386 = arith.constant 32 : i32
      %mul3A_387 = arith.muli %add3A_385, %mul3A_386 : i32
      %add3A_388 = arith.addi %mul3A_387, %add3A : i32
      %lt3A_389 = arith.constant 5000 : i32
      %lt3A_390 = arith.cmpi slt, %add3A_388, %lt3A_389 : i32
      %convert_element_type3A_391 = arith.extui %lt3A_390 : i1 to i32
      %cond3A_392 = arith.constant 0 : i32
      %cond3A_393 = arith.cmpi ne, %convert_element_type3A_391, %cond3A_392 : i32
      scf.if %cond3A_393 {
        %dma_wait3A_448 = arith.constant 0 : i32
        %dma_wait3A_449 = arith.constant 0 : i32
        %dma_wait3A_450 = tpu.memref_slice %arg4[%dma_wait3A_448, %dma_wait3A_449] : memref<320000x128xf32, #tpu.memory_space<hbm>> -> memref<64x128xf32, #tpu.memory_space<hbm>>
        %dma_wait3A_451 = arith.constant 0 : i32
        %dma_wait3A_452 = arith.constant 0 : i32
        %dma_wait3A_453 = tpu.memref_slice %arg4[%dma_wait3A_451, %dma_wait3A_452] : memref<320000x128xf32, #tpu.memory_space<hbm>> -> memref<64x128xf32, #tpu.memory_space<hbm>>
        tpu.wait_dma2 semaphore(%arg32 : memref<!tpu.dma_semaphore, #tpu.memory_space<semaphore_mem>>) src(%arg14 : memref<64x128xf32, #tpu.memory_space<vmem>>) dst(%dma_wait3A_453 : memref<64x128xf32, #tpu.memory_space<hbm>>)
        %dma_wait3A_454 = arith.constant 0 : i32
        %dma_wait3A_455 = tpu.memref_slice %arg3[%dma_wait3A_454] : memref<320000xi32, #tpu.memory_space<hbm>> -> memref<64xi32, #tpu.memory_space<hbm>>
        %dma_wait3A_456 = arith.constant 0 : i32
        %dma_wait3A_457 = tpu.memref_slice %arg3[%dma_wait3A_456] : memref<320000xi32, #tpu.memory_space<hbm>> -> memref<64xi32, #tpu.memory_space<hbm>>
        tpu.wait_dma2 semaphore(%arg20 : memref<!tpu.dma_semaphore, #tpu.memory_space<semaphore_mem>>) src(%dma_wait3A_457 : memref<64xi32, #tpu.memory_space<hbm>>) dst(%arg8 : memref<64xi32, #tpu.memory_space<vmem>>)
        %dma_start3A = arith.constant 0 : i32
        %dma_start3A_458 = arith.constant 0 : i32
        %dma_start3A_459 = tpu.memref_slice %arg35[%dma_start3A, %dma_start3A_458] : memref<10000x128xf32, #tpu.memory_space<vmem_shared>> -> memref<10000x128xf32, #tpu.memory_space<vmem_shared>>
        tpu.enqueue_indirect_dma source(%dma_start3A_459 : memref<10000x128xf32, #tpu.memory_space<vmem_shared>>) target(%arg14 : memref<64x128xf32, #tpu.memory_space<vmem>>) offsets(%arg8 : memref<64xi32, #tpu.memory_space<vmem>>) semaphore(%arg26 : memref<!tpu.dma_semaphore, #tpu.memory_space<semaphore_mem>>)
      } else {
      }
      %sub3A_394 = arith.constant 1 : i32
      %sub3A_395 = arith.subi %add3A_385, %sub3A_394 : i32
      %mul3A_396 = arith.constant 32 : i32
      %mul3A_397 = arith.muli %sub3A_395, %mul3A_396 : i32
      %add3A_398 = arith.addi %mul3A_397, %add3A : i32
      %lt3A_399 = arith.constant 5000 : i32
      %lt3A_400 = arith.cmpi slt, %add3A_398, %lt3A_399 : i32
      %convert_element_type3A_401 = arith.extui %lt3A_400 : i1 to i32
      %cond3A_402 = arith.constant 0 : i32
      %cond3A_403 = arith.cmpi ne, %convert_element_type3A_401, %cond3A_402 : i32
      scf.if %cond3A_403 {
        %dma_wait3A_448 = arith.constant 0 : i32
        %dma_wait3A_449 = arith.constant 0 : i32
        %dma_wait3A_450 = tpu.memref_slice %arg35[%dma_wait3A_448, %dma_wait3A_449] : memref<10000x128xf32, #tpu.memory_space<vmem_shared>> -> memref<10000x128xf32, #tpu.memory_space<vmem_shared>>
        tpu.wait_indirect_dma semaphore(%arg25 : memref<!tpu.dma_semaphore, #tpu.memory_space<semaphore_mem>>) src(%dma_wait3A_450 : memref<10000x128xf32, #tpu.memory_space<vmem_shared>>) dst(%arg13 : memref<64x128xf32, #tpu.memory_space<vmem>>)
        %mul3A_451 = arith.constant 64 : i32
        %mul3A_452 = arith.muli %add3A_398, %mul3A_451 : i32
        %dma_start3A = arith.constant 0 : i32
        %dma_start3A_453 = tpu.memref_slice %arg4[%mul3A_452, %dma_start3A] : memref<320000x128xf32, #tpu.memory_space<hbm>> -> memref<64x128xf32, #tpu.memory_space<hbm>>
        %dma_start3A_454 = arith.constant 0 : i32
        %dma_start3A_455 = tpu.memref_slice %arg4[%mul3A_452, %dma_start3A_454] : memref<320000x128xf32, #tpu.memory_space<hbm>> -> memref<64x128xf32, #tpu.memory_space<hbm>>
        tpu.enqueue_dma source(%arg13 : memref<64x128xf32, #tpu.memory_space<vmem>>) target(%dma_start3A_455 : memref<64x128xf32, #tpu.memory_space<hbm>>) target_semaphore(%arg31 : memref<!tpu.dma_semaphore, #tpu.memory_space<semaphore_mem>>)
        %sub3A_456 = arith.constant 1 : i32
        %sub3A_457 = arith.subi %add3A_385, %sub3A_456 : i32
        %add3A_458 = arith.constant 6 : i32
        %add3A_459 = arith.addi %sub3A_457, %add3A_458 : i32
        %mul3A_460 = arith.constant 32 : i32
        %mul3A_461 = arith.muli %add3A_459, %mul3A_460 : i32
        %add3A_462 = arith.addi %mul3A_461, %add3A : i32
        %lt3A_463 = arith.constant 5000 : i32
        %lt3A_464 = arith.cmpi slt, %add3A_462, %lt3A_463 : i32
        %convert_element_type3A_465 = arith.extui %lt3A_464 : i1 to i32
        %cond3A_466 = arith.constant 0 : i32
        %cond3A_467 = arith.cmpi ne, %convert_element_type3A_465, %cond3A_466 : i32
        scf.if %cond3A_467 {
          %mul3A_468 = arith.constant 64 : i32
          %mul3A_469 = arith.muli %add3A_462, %mul3A_468 : i32
          %dma_start3A_470 = tpu.memref_slice %arg3[%mul3A_469] : memref<320000xi32, #tpu.memory_space<hbm>> -> memref<64xi32, #tpu.memory_space<hbm>>
          %dma_start3A_471 = tpu.memref_slice %arg3[%mul3A_469] : memref<320000xi32, #tpu.memory_space<hbm>> -> memref<64xi32, #tpu.memory_space<hbm>>
          tpu.enqueue_dma source(%dma_start3A_471 : memref<64xi32, #tpu.memory_space<hbm>>) target(%arg7 : memref<64xi32, #tpu.memory_space<vmem>>) target_semaphore(%arg19 : memref<!tpu.dma_semaphore, #tpu.memory_space<semaphore_mem>>)
        } else {
        }
      } else {
      }
      %mul3A_404 = arith.constant 6 : i32
      %mul3A_405 = arith.muli %scan3A_316, %mul3A_404 : i32
      %add3A_406 = arith.constant 4 : i32
      %add3A_407 = arith.addi %mul3A_405, %add3A_406 : i32
      %mul3A_408 = arith.constant 32 : i32
      %mul3A_409 = arith.muli %add3A_407, %mul3A_408 : i32
      %add3A_410 = arith.addi %mul3A_409, %add3A : i32
      %lt3A_411 = arith.constant 5000 : i32
      %lt3A_412 = arith.cmpi slt, %add3A_410, %lt3A_411 : i32
      %convert_element_type3A_413 = arith.extui %lt3A_412 : i1 to i32
      %cond3A_414 = arith.constant 0 : i32
      %cond3A_415 = arith.cmpi ne, %convert_element_type3A_413, %cond3A_414 : i32
      scf.if %cond3A_415 {
        %dma_wait3A_448 = arith.constant 0 : i32
        %dma_wait3A_449 = arith.constant 0 : i32
        %dma_wait3A_450 = tpu.memref_slice %arg4[%dma_wait3A_448, %dma_wait3A_449] : memref<320000x128xf32, #tpu.memory_space<hbm>> -> memref<64x128xf32, #tpu.memory_space<hbm>>
        %dma_wait3A_451 = arith.constant 0 : i32
        %dma_wait3A_452 = arith.constant 0 : i32
        %dma_wait3A_453 = tpu.memref_slice %arg4[%dma_wait3A_451, %dma_wait3A_452] : memref<320000x128xf32, #tpu.memory_space<hbm>> -> memref<64x128xf32, #tpu.memory_space<hbm>>
        tpu.wait_dma2 semaphore(%arg33 : memref<!tpu.dma_semaphore, #tpu.memory_space<semaphore_mem>>) src(%arg15 : memref<64x128xf32, #tpu.memory_space<vmem>>) dst(%dma_wait3A_453 : memref<64x128xf32, #tpu.memory_space<hbm>>)
        %dma_wait3A_454 = arith.constant 0 : i32
        %dma_wait3A_455 = tpu.memref_slice %arg3[%dma_wait3A_454] : memref<320000xi32, #tpu.memory_space<hbm>> -> memref<64xi32, #tpu.memory_space<hbm>>
        %dma_wait3A_456 = arith.constant 0 : i32
        %dma_wait3A_457 = tpu.memref_slice %arg3[%dma_wait3A_456] : memref<320000xi32, #tpu.memory_space<hbm>> -> memref<64xi32, #tpu.memory_space<hbm>>
        tpu.wait_dma2 semaphore(%arg21 : memref<!tpu.dma_semaphore, #tpu.memory_space<semaphore_mem>>) src(%dma_wait3A_457 : memref<64xi32, #tpu.memory_space<hbm>>) dst(%arg9 : memref<64xi32, #tpu.memory_space<vmem>>)
        %dma_start3A = arith.constant 0 : i32
        %dma_start3A_458 = arith.constant 0 : i32
        %dma_start3A_459 = tpu.memref_slice %arg35[%dma_start3A, %dma_start3A_458] : memref<10000x128xf32, #tpu.memory_space<vmem_shared>> -> memref<10000x128xf32, #tpu.memory_space<vmem_shared>>
        tpu.enqueue_indirect_dma source(%dma_start3A_459 : memref<10000x128xf32, #tpu.memory_space<vmem_shared>>) target(%arg15 : memref<64x128xf32, #tpu.memory_space<vmem>>) offsets(%arg9 : memref<64xi32, #tpu.memory_space<vmem>>) semaphore(%arg27 : memref<!tpu.dma_semaphore, #tpu.memory_space<semaphore_mem>>)
      } else {
      }
      %sub3A_416 = arith.constant 1 : i32
      %sub3A_417 = arith.subi %add3A_407, %sub3A_416 : i32
      %mul3A_418 = arith.constant 32 : i32
      %mul3A_419 = arith.muli %sub3A_417, %mul3A_418 : i32
      %add3A_420 = arith.addi %mul3A_419, %add3A : i32
      %lt3A_421 = arith.constant 5000 : i32
      %lt3A_422 = arith.cmpi slt, %add3A_420, %lt3A_421 : i32
      %convert_element_type3A_423 = arith.extui %lt3A_422 : i1 to i32
      %cond3A_424 = arith.constant 0 : i32
      %cond3A_425 = arith.cmpi ne, %convert_element_type3A_423, %cond3A_424 : i32
      scf.if %cond3A_425 {
        %dma_wait3A_448 = arith.constant 0 : i32
        %dma_wait3A_449 = arith.constant 0 : i32
        %dma_wait3A_450 = tpu.memref_slice %arg35[%dma_wait3A_448, %dma_wait3A_449] : memref<10000x128xf32, #tpu.memory_space<vmem_shared>> -> memref<10000x128xf32, #tpu.memory_space<vmem_shared>>
        tpu.wait_indirect_dma semaphore(%arg26 : memref<!tpu.dma_semaphore, #tpu.memory_space<semaphore_mem>>) src(%dma_wait3A_450 : memref<10000x128xf32, #tpu.memory_space<vmem_shared>>) dst(%arg14 : memref<64x128xf32, #tpu.memory_space<vmem>>)
        %mul3A_451 = arith.constant 64 : i32
        %mul3A_452 = arith.muli %add3A_420, %mul3A_451 : i32
        %dma_start3A = arith.constant 0 : i32
        %dma_start3A_453 = tpu.memref_slice %arg4[%mul3A_452, %dma_start3A] : memref<320000x128xf32, #tpu.memory_space<hbm>> -> memref<64x128xf32, #tpu.memory_space<hbm>>
        %dma_start3A_454 = arith.constant 0 : i32
        %dma_start3A_455 = tpu.memref_slice %arg4[%mul3A_452, %dma_start3A_454] : memref<320000x128xf32, #tpu.memory_space<hbm>> -> memref<64x128xf32, #tpu.memory_space<hbm>>
        tpu.enqueue_dma source(%arg14 : memref<64x128xf32, #tpu.memory_space<vmem>>) target(%dma_start3A_455 : memref<64x128xf32, #tpu.memory_space<hbm>>) target_semaphore(%arg32 : memref<!tpu.dma_semaphore, #tpu.memory_space<semaphore_mem>>)
        %sub3A_456 = arith.constant 1 : i32
        %sub3A_457 = arith.subi %add3A_407, %sub3A_456 : i32
        %add3A_458 = arith.constant 6 : i32
        %add3A_459 = arith.addi %sub3A_457, %add3A_458 : i32
        %mul3A_460 = arith.constant 32 : i32
        %mul3A_461 = arith.muli %add3A_459, %mul3A_460 : i32
        %add3A_462 = arith.addi %mul3A_461, %add3A : i32
        %lt3A_463 = arith.constant 5000 : i32
        %lt3A_464 = arith.cmpi slt, %add3A_462, %lt3A_463 : i32
        %convert_element_type3A_465 = arith.extui %lt3A_464 : i1 to i32
        %cond3A_466 = arith.constant 0 : i32
        %cond3A_467 = arith.cmpi ne, %convert_element_type3A_465, %cond3A_466 : i32
        scf.if %cond3A_467 {
          %mul3A_468 = arith.constant 64 : i32
          %mul3A_469 = arith.muli %add3A_462, %mul3A_468 : i32
          %dma_start3A_470 = tpu.memref_slice %arg3[%mul3A_469] : memref<320000xi32, #tpu.memory_space<hbm>> -> memref<64xi32, #tpu.memory_space<hbm>>
          %dma_start3A_471 = tpu.memref_slice %arg3[%mul3A_469] : memref<320000xi32, #tpu.memory_space<hbm>> -> memref<64xi32, #tpu.memory_space<hbm>>
          tpu.enqueue_dma source(%dma_start3A_471 : memref<64xi32, #tpu.memory_space<hbm>>) target(%arg8 : memref<64xi32, #tpu.memory_space<vmem>>) target_semaphore(%arg20 : memref<!tpu.dma_semaphore, #tpu.memory_space<semaphore_mem>>)
        } else {
        }
      } else {
      }
      %mul3A_426 = arith.constant 6 : i32
      %mul3A_427 = arith.muli %scan3A_316, %mul3A_426 : i32
      %add3A_428 = arith.constant 5 : i32
      %add3A_429 = arith.addi %mul3A_427, %add3A_428 : i32
      %mul3A_430 = arith.constant 32 : i32
      %mul3A_431 = arith.muli %add3A_429, %mul3A_430 : i32
      %add3A_432 = arith.addi %mul3A_431, %add3A : i32
      %lt3A_433 = arith.constant 5000 : i32
      %lt3A_434 = arith.cmpi slt, %add3A_432, %lt3A_433 : i32
      %convert_element_type3A_435 = arith.extui %lt3A_434 : i1 to i32
      %cond3A_436 = arith.constant 0 : i32
      %cond3A_437 = arith.cmpi ne, %convert_element_type3A_435, %cond3A_436 : i32
      scf.if %cond3A_437 {
        %dma_wait3A_448 = arith.constant 0 : i32
        %dma_wait3A_449 = arith.constant 0 : i32
        %dma_wait3A_450 = tpu.memref_slice %arg4[%dma_wait3A_448, %dma_wait3A_449] : memref<320000x128xf32, #tpu.memory_space<hbm>> -> memref<64x128xf32, #tpu.memory_space<hbm>>
        %dma_wait3A_451 = arith.constant 0 : i32
        %dma_wait3A_452 = arith.constant 0 : i32
        %dma_wait3A_453 = tpu.memref_slice %arg4[%dma_wait3A_451, %dma_wait3A_452] : memref<320000x128xf32, #tpu.memory_space<hbm>> -> memref<64x128xf32, #tpu.memory_space<hbm>>
        tpu.wait_dma2 semaphore(%arg34 : memref<!tpu.dma_semaphore, #tpu.memory_space<semaphore_mem>>) src(%arg16 : memref<64x128xf32, #tpu.memory_space<vmem>>) dst(%dma_wait3A_453 : memref<64x128xf32, #tpu.memory_space<hbm>>)
        %dma_wait3A_454 = arith.constant 0 : i32
        %dma_wait3A_455 = tpu.memref_slice %arg3[%dma_wait3A_454] : memref<320000xi32, #tpu.memory_space<hbm>> -> memref<64xi32, #tpu.memory_space<hbm>>
        %dma_wait3A_456 = arith.constant 0 : i32
        %dma_wait3A_457 = tpu.memref_slice %arg3[%dma_wait3A_456] : memref<320000xi32, #tpu.memory_space<hbm>> -> memref<64xi32, #tpu.memory_space<hbm>>
        tpu.wait_dma2 semaphore(%arg22 : memref<!tpu.dma_semaphore, #tpu.memory_space<semaphore_mem>>) src(%dma_wait3A_457 : memref<64xi32, #tpu.memory_space<hbm>>) dst(%arg10 : memref<64xi32, #tpu.memory_space<vmem>>)
        %dma_start3A = arith.constant 0 : i32
        %dma_start3A_458 = arith.constant 0 : i32
        %dma_start3A_459 = tpu.memref_slice %arg35[%dma_start3A, %dma_start3A_458] : memref<10000x128xf32, #tpu.memory_space<vmem_shared>> -> memref<10000x128xf32, #tpu.memory_space<vmem_shared>>
        tpu.enqueue_indirect_dma source(%dma_start3A_459 : memref<10000x128xf32, #tpu.memory_space<vmem_shared>>) target(%arg16 : memref<64x128xf32, #tpu.memory_space<vmem>>) offsets(%arg10 : memref<64xi32, #tpu.memory_space<vmem>>) semaphore(%arg28 : memref<!tpu.dma_semaphore, #tpu.memory_space<semaphore_mem>>)
      } else {
      }
      %sub3A_438 = arith.constant 1 : i32
      %sub3A_439 = arith.subi %add3A_429, %sub3A_438 : i32
      %mul3A_440 = arith.constant 32 : i32
      %mul3A_441 = arith.muli %sub3A_439, %mul3A_440 : i32
      %add3A_442 = arith.addi %mul3A_441, %add3A : i32
      %lt3A_443 = arith.constant 5000 : i32
      %lt3A_444 = arith.cmpi slt, %add3A_442, %lt3A_443 : i32
      %convert_element_type3A_445 = arith.extui %lt3A_444 : i1 to i32
      %cond3A_446 = arith.constant 0 : i32
      %cond3A_447 = arith.cmpi ne, %convert_element_type3A_445, %cond3A_446 : i32
      scf.if %cond3A_447 {
        %dma_wait3A_448 = arith.constant 0 : i32
        %dma_wait3A_449 = arith.constant 0 : i32
        %dma_wait3A_450 = tpu.memref_slice %arg35[%dma_wait3A_448, %dma_wait3A_449] : memref<10000x128xf32, #tpu.memory_space<vmem_shared>> -> memref<10000x128xf32, #tpu.memory_space<vmem_shared>>
        tpu.wait_indirect_dma semaphore(%arg27 : memref<!tpu.dma_semaphore, #tpu.memory_space<semaphore_mem>>) src(%dma_wait3A_450 : memref<10000x128xf32, #tpu.memory_space<vmem_shared>>) dst(%arg15 : memref<64x128xf32, #tpu.memory_space<vmem>>)
        %mul3A_451 = arith.constant 64 : i32
        %mul3A_452 = arith.muli %add3A_442, %mul3A_451 : i32
        %dma_start3A = arith.constant 0 : i32
        %dma_start3A_453 = tpu.memref_slice %arg4[%mul3A_452, %dma_start3A] : memref<320000x128xf32, #tpu.memory_space<hbm>> -> memref<64x128xf32, #tpu.memory_space<hbm>>
        %dma_start3A_454 = arith.constant 0 : i32
        %dma_start3A_455 = tpu.memref_slice %arg4[%mul3A_452, %dma_start3A_454] : memref<320000x128xf32, #tpu.memory_space<hbm>> -> memref<64x128xf32, #tpu.memory_space<hbm>>
        tpu.enqueue_dma source(%arg15 : memref<64x128xf32, #tpu.memory_space<vmem>>) target(%dma_start3A_455 : memref<64x128xf32, #tpu.memory_space<hbm>>) target_semaphore(%arg33 : memref<!tpu.dma_semaphore, #tpu.memory_space<semaphore_mem>>)
        %sub3A_456 = arith.constant 1 : i32
        %sub3A_457 = arith.subi %add3A_429, %sub3A_456 : i32
        %add3A_458 = arith.constant 6 : i32
        %add3A_459 = arith.addi %sub3A_457, %add3A_458 : i32
        %mul3A_460 = arith.constant 32 : i32
        %mul3A_461 = arith.muli %add3A_459, %mul3A_460 : i32
        %add3A_462 = arith.addi %mul3A_461, %add3A : i32
        %lt3A_463 = arith.constant 5000 : i32
        %lt3A_464 = arith.cmpi slt, %add3A_462, %lt3A_463 : i32
        %convert_element_type3A_465 = arith.extui %lt3A_464 : i1 to i32
        %cond3A_466 = arith.constant 0 : i32
        %cond3A_467 = arith.cmpi ne, %convert_element_type3A_465, %cond3A_466 : i32
        scf.if %cond3A_467 {
          %mul3A_468 = arith.constant 64 : i32
          %mul3A_469 = arith.muli %add3A_462, %mul3A_468 : i32
          %dma_start3A_470 = tpu.memref_slice %arg3[%mul3A_469] : memref<320000xi32, #tpu.memory_space<hbm>> -> memref<64xi32, #tpu.memory_space<hbm>>
          %dma_start3A_471 = tpu.memref_slice %arg3[%mul3A_469] : memref<320000xi32, #tpu.memory_space<hbm>> -> memref<64xi32, #tpu.memory_space<hbm>>
          tpu.enqueue_dma source(%dma_start3A_471 : memref<64xi32, #tpu.memory_space<hbm>>) target(%arg9 : memref<64xi32, #tpu.memory_space<vmem>>) target_semaphore(%arg21 : memref<!tpu.dma_semaphore, #tpu.memory_space<semaphore_mem>>)
        } else {
        }
      } else {
      }
    }
    %scan3A_280 = arith.constant 26 : i32
    %dma_wait3A = arith.constant 0 : i32
    %dma_wait3A_281 = arith.constant 0 : i32
    %dma_wait3A_282 = tpu.memref_slice %arg4[%dma_wait3A, %dma_wait3A_281] : memref<320000x128xf32, #tpu.memory_space<hbm>> -> memref<64x128xf32, #tpu.memory_space<hbm>>
    %dma_wait3A_283 = arith.constant 0 : i32
    %dma_wait3A_284 = arith.constant 0 : i32
    %dma_wait3A_285 = tpu.memref_slice %arg4[%dma_wait3A_283, %dma_wait3A_284] : memref<320000x128xf32, #tpu.memory_space<hbm>> -> memref<64x128xf32, #tpu.memory_space<hbm>>
    tpu.wait_dma2 semaphore(%arg29 : memref<!tpu.dma_semaphore, #tpu.memory_space<semaphore_mem>>) src(%arg11 : memref<64x128xf32, #tpu.memory_space<vmem>>) dst(%dma_wait3A_285 : memref<64x128xf32, #tpu.memory_space<hbm>>)
    %dma_wait3A_286 = arith.constant 0 : i32
    %dma_wait3A_287 = arith.constant 0 : i32
    %dma_wait3A_288 = tpu.memref_slice %arg4[%dma_wait3A_286, %dma_wait3A_287] : memref<320000x128xf32, #tpu.memory_space<hbm>> -> memref<64x128xf32, #tpu.memory_space<hbm>>
    %dma_wait3A_289 = arith.constant 0 : i32
    %dma_wait3A_290 = arith.constant 0 : i32
    %dma_wait3A_291 = tpu.memref_slice %arg4[%dma_wait3A_289, %dma_wait3A_290] : memref<320000x128xf32, #tpu.memory_space<hbm>> -> memref<64x128xf32, #tpu.memory_space<hbm>>
    tpu.wait_dma2 semaphore(%arg30 : memref<!tpu.dma_semaphore, #tpu.memory_space<semaphore_mem>>) src(%arg12 : memref<64x128xf32, #tpu.memory_space<vmem>>) dst(%dma_wait3A_291 : memref<64x128xf32, #tpu.memory_space<hbm>>)
    %dma_wait3A_292 = arith.constant 0 : i32
    %dma_wait3A_293 = arith.constant 0 : i32
    %dma_wait3A_294 = tpu.memref_slice %arg4[%dma_wait3A_292, %dma_wait3A_293] : memref<320000x128xf32, #tpu.memory_space<hbm>> -> memref<64x128xf32, #tpu.memory_space<hbm>>
    %dma_wait3A_295 = arith.constant 0 : i32
    %dma_wait3A_296 = arith.constant 0 : i32
    %dma_wait3A_297 = tpu.memref_slice %arg4[%dma_wait3A_295, %dma_wait3A_296] : memref<320000x128xf32, #tpu.memory_space<hbm>> -> memref<64x128xf32, #tpu.memory_space<hbm>>
    tpu.wait_dma2 semaphore(%arg31 : memref<!tpu.dma_semaphore, #tpu.memory_space<semaphore_mem>>) src(%arg13 : memref<64x128xf32, #tpu.memory_space<vmem>>) dst(%dma_wait3A_297 : memref<64x128xf32, #tpu.memory_space<hbm>>)
    %dma_wait3A_298 = arith.constant 0 : i32
    %dma_wait3A_299 = arith.constant 0 : i32
    %dma_wait3A_300 = tpu.memref_slice %arg4[%dma_wait3A_298, %dma_wait3A_299] : memref<320000x128xf32, #tpu.memory_space<hbm>> -> memref<64x128xf32, #tpu.memory_space<hbm>>
    %dma_wait3A_301 = arith.constant 0 : i32
    %dma_wait3A_302 = arith.constant 0 : i32
    %dma_wait3A_303 = tpu.memref_slice %arg4[%dma_wait3A_301, %dma_wait3A_302] : memref<320000x128xf32, #tpu.memory_space<hbm>> -> memref<64x128xf32, #tpu.memory_space<hbm>>
    tpu.wait_dma2 semaphore(%arg32 : memref<!tpu.dma_semaphore, #tpu.memory_space<semaphore_mem>>) src(%arg14 : memref<64x128xf32, #tpu.memory_space<vmem>>) dst(%dma_wait3A_303 : memref<64x128xf32, #tpu.memory_space<hbm>>)
    %dma_wait3A_304 = arith.constant 0 : i32
    %dma_wait3A_305 = arith.constant 0 : i32
    %dma_wait3A_306 = tpu.memref_slice %arg4[%dma_wait3A_304, %dma_wait3A_305] : memref<320000x128xf32, #tpu.memory_space<hbm>> -> memref<64x128xf32, #tpu.memory_space<hbm>>
    %dma_wait3A_307 = arith.constant 0 : i32
    %dma_wait3A_308 = arith.constant 0 : i32
    %dma_wait3A_309 = tpu.memref_slice %arg4[%dma_wait3A_307, %dma_wait3A_308] : memref<320000x128xf32, #tpu.memory_space<hbm>> -> memref<64x128xf32, #tpu.memory_space<hbm>>
    tpu.wait_dma2 semaphore(%arg33 : memref<!tpu.dma_semaphore, #tpu.memory_space<semaphore_mem>>) src(%arg15 : memref<64x128xf32, #tpu.memory_space<vmem>>) dst(%dma_wait3A_309 : memref<64x128xf32, #tpu.memory_space<hbm>>)
    %dma_wait3A_310 = arith.constant 0 : i32
    %dma_wait3A_311 = arith.constant 0 : i32
    %dma_wait3A_312 = tpu.memref_slice %arg4[%dma_wait3A_310, %dma_wait3A_311] : memref<320000x128xf32, #tpu.memory_space<hbm>> -> memref<64x128xf32, #tpu.memory_space<hbm>>
    %dma_wait3A_313 = arith.constant 0 : i32
    %dma_wait3A_314 = arith.constant 0 : i32
    %dma_wait3A_315 = tpu.memref_slice %arg4[%dma_wait3A_313, %dma_wait3A_314] : memref<320000x128xf32, #tpu.memory_space<hbm>> -> memref<64x128xf32, #tpu.memory_space<hbm>>
    tpu.wait_dma2 semaphore(%arg34 : memref<!tpu.dma_semaphore, #tpu.memory_space<semaphore_mem>>) src(%arg16 : memref<64x128xf32, #tpu.memory_space<vmem>>) dst(%dma_wait3A_315 : memref<64x128xf32, #tpu.memory_space<hbm>>)
    return
  }
}

</mosaic_0001>

<sc_bundles>
// kernel: kernel.3.cloned.1.call-start
scs
__scs_entry_jumppad:
0x0: {  	(pc) =	sbr.rel $0x88, $3  }
0x1: {  	(tag) =	ssettag $0x0;
	lr =	simm.s32 $0x1  }
0x2: {  	[smem:$0x3F9F] =	sst lr;
	_ =	strace $0xD0000000  }
0x3: {  	_ = 	snop  }
0x4: {  	_ = 	snop  }
0x5: {  	_ = 	snop  }
0x6: {  	_ = 	snop  }
0x7: {  	_ = 	snop  }
__scs_overlays_trampoline_lowered:
0x8: {  	[smem:$0x3FAE] =	sst s0  }
0x9: {  	[smem:$0x3FAF] =	sst s1  }
0xa: {  	[smem:$0x3FB0] =	sst s2  }
0xb: {  	[smem:$0x3FB1] =	sst s3  }
0xc: {  	[smem:$0x3FB2] =	sst s4  }
0xd: {  	[smem:$0x3FB3] =	sst s5  }
0xe: {  	[smem:$0x3FB4] =	sst s6  }
0xf: {  	[smem:$0x3FB5] =	sst s7  }
0x10: {  	[smem:$0x3FB6] =	sst s8  }
0x11: {  	[smem:$0x3FB7] =	sst s9;
	s0 =	simm.s32 @!p0 $0x0  }
0x12: {  	s1 =	sld [smem:$0x3F9D];
	s0 =	simm.s32 @p0 $0x1  }
0x13: {  	[smem:$0x3FB8] =	sst s0;
	s0 =	simm.s32 @!p1 $0x0  }
0x14: {  	s2 =	sld [smem:$0x3F9C];
	s0 =	simm.s32 @p1 $0x1  }
0x15: {  	[smem:$0x3FB9] =	sst s0;
	s0 =	simm.s32 @!p2 $0x0  }
0x16: {  	s3 =	sld [smem:$0x3FDB];
	s0 =	simm.s32 @p2 $0x1  }
0x17: {  	s4 =	simm.s32 $0x1BF5;
	[smem:$0x3FBB] =	sst s0  }
0x18: {  	s0 =	sld [smem:$0x3F9E];
	_ =	swait.ge [sflag:s4], $0x0  }
0x19: {  	s7 =	sld [smem:$0x3F9F]  }
0x1a: {  	s8 =	sadd.s32 $0xFFFFE003, lr  }
0x1b: {  	s9 =	sadd.s32 $0xFFFFFEF7, lr;
	s5 =	simm.s32 $0xFFFFFFFF;
	p2 =	slt.u32 s8, $0xFFFFF086  }
0x1c: {  	p1 =	slt.u32 s9, $0xF7A;
	s5 =	simm.s32 @!p2 $0x0  }
0x1d: {  	s5 =	simm.s32 @p1 $0x1;
	p0 =	seq.s32 s7, s2  }
0x1e: {  	s7 =	smul.u32 @!p0 $0xF7A, s2;
	p2 =	seq.s32 @!p0 s5, $0x0  }
0x1f: {  	s9 =	smul.u32 $0xF7A, s1;
	s8 =	simm.s32 @!p0 $0x1BF5;
	p2 =	por !p2, p0  }
0x20: {  	[sflag:s8] =	ssyncset.s32 @!p0 $0xFFFFF086;
	s6 =	sadd.s32 @!p0 s3, s7;
	s7 =	simm.s32 @!p0 $0x108  }
0x21: {  	s3 =	sadd.s32 s3, s9;
	s6 =	sadd.s32 @!p0 $0x88, s6;
	s7 =	simm.s32 @p2 $0x1082  }
0x22: {  	[simem:s7], [sflag:s8] =	dma.local @!p0 [hbm:s6], $0xF7A  }
0x23: {  	s9 =	sor.u32 $0xD0000000, s2;
	s6 =	simm.s32 $0x108;
	_ =	swait.ge @!p0 [sflag:s8], $0x0  }
0x24: {  	s3 =	sadd.s32 $0x88, s3;
	s6 =	simm.s32 @!p1 $0x1082;
	[sflag:s4] =	ssyncset.s32 $0xFFFFF086  }
0x25: {  	[simem:s6], [sflag:s4] =	dma.local [hbm:s3], $0xF7A  }
0x26: {  	[smem:$0x3F9F] =	sst s1;
	(tag) =	ssettag s2;
	_ =	strace s9  }
0x27: {  	s1 =	sld [smem:$0x3FAF]  }
0x28: {  	s2 =	sld [smem:$0x3FB0]  }
0x29: {  	s4 =	sld [smem:$0x3FB2]  }
0x2a: {  	p0 =	seq.s32 s5, $0x0;
	s5 =	sld [smem:$0x3FB3]  }
0x2b: {  	s6 =	sld [smem:$0x3FB4]  }
0x2c: {  	s7 =	sld [smem:$0x3FB5]  }
0x2d: {  	s3 =	simm.s32 $0x108;
	s8 =	sld [smem:$0x3FB6]  }
0x2e: {  	s3 =	simm.s32 @!p0 $0x1082;
	s9 =	sld [smem:$0x3FB7]  }
0x2f: {  	lr =	sadd.s32 s0, s3;
	s0 =	sld [smem:$0x3FAE]  }
0x30: {  	s3 =	sld [smem:$0x3FB1]  }
0x31: {  	[smem:$0x3FBA] =	sst s10  }
0x32: {  	s10 =	sld [smem:$0x3FB8];
	_ =	sdelay $0x3  }
0x33: {  	p0 =	seq.s32 s10, $0x1;
	s10 =	sld [smem:$0x3FBA];
	_ =	sdelay $0x3  }
0x34: {  	[smem:$0x3FBA] =	sst s10  }
0x35: {  	s10 =	sld [smem:$0x3FB9];
	_ =	sdelay $0x3  }
0x36: {  	p1 =	seq.s32 s10, $0x1;
	s10 =	sld [smem:$0x3FBA];
	_ =	sdelay $0x3  }
0x37: {  	[smem:$0x3FBA] =	sst s10  }
0x38: {  	s10 =	sld [smem:$0x3FBB]  }
0x39: {  	_ = 	snop;
	(pc) =	sbr.ind lr, $3  }
0x3a: {  	_ = 	snop  }
0x3b: {  	_ = 	snop  }
0x3c: {  	p2 =	seq.s32 s10, $0x1;
	s10 =	sld [smem:$0x3FBA]  }
0x3d: {  	_ =	shalt  }
0x3e: {  	_ =	shalt  }
0x3f: {  	_ =	shalt  }
0x40: {  	_ =	shalt  }
0x41: {  	_ =	shalt  }
0x42: {  	_ =	shalt  }
0x43: {  	_ =	shalt  }
0x44: {  	_ =	shalt  }
0x45: {  	_ =	shalt  }
0x46: {  	_ =	shalt  }
0x47: {  	_ =	shalt  }
0x48: {  	_ =	shalt  }
0x49: {  	_ =	shalt  }
0x4a: {  	_ =	shalt  }
0x4b: {  	_ =	shalt  }
0x4c: {  	_ =	shalt  }
0x4d: {  	_ =	shalt  }
0x4e: {  	_ =	shalt  }
0x4f: {  	_ =	shalt  }
0x50: {  	_ =	shalt  }
0x51: {  	_ =	shalt  }
0x52: {  	_ =	shalt  }
0x53: {  	_ =	shalt  }
0x54: {  	_ =	shalt  }
0x55: {  	_ =	shalt  }
0x56: {  	_ =	shalt  }
0x57: {  	_ =	shalt  }
0x58: {  	_ =	shalt  }
0x59: {  	_ =	shalt  }
0x5a: {  	_ =	shalt  }
0x5b: {  	_ =	shalt  }
0x5c: {  	_ =	shalt  }
0x5d: {  	_ =	shalt  }
0x5e: {  	_ =	shalt  }
0x5f: {  	_ =	shalt  }
0x60: {  	_ =	shalt  }
0x61: {  	_ =	shalt  }
0x62: {  	_ =	shalt  }
0x63: {  	_ =	shalt  }
0x64: {  	_ =	shalt  }
0x65: {  	_ =	shalt  }
0x66: {  	_ =	shalt  }
0x67: {  	_ =	shalt  }
0x68: {  	_ =	shalt  }
0x69: {  	_ =	shalt  }
0x6a: {  	_ =	shalt  }
0x6b: {  	_ =	shalt  }
0x6c: {  	_ =	shalt  }
0x6d: {  	_ =	shalt  }
0x6e: {  	_ =	shalt  }
0x6f: {  	_ =	shalt  }
0x70: {  	_ =	shalt  }
0x71: {  	_ =	shalt  }
0x72: {  	_ =	shalt  }
0x73: {  	_ =	shalt  }
0x74: {  	_ =	shalt  }
0x75: {  	_ =	shalt  }
0x76: {  	_ =	shalt  }
0x77: {  	_ =	shalt  }
0x78: {  	_ =	shalt  }
0x79: {  	_ =	shalt  }
0x7a: {  	_ =	shalt  }
0x7b: {  	_ =	shalt  }
0x7c: {  	_ =	shalt  }
0x7d: {  	_ =	shalt  }
0x7e: {  	_ =	shalt  }
0x7f: {  	_ =	shalt  }
0x80: {  	_ =	shalt  }
0x81: {  	_ =	shalt  }
0x82: {  	_ =	shalt  }
0x83: {  	_ =	shalt  }
0x84: {  	_ =	shalt  }
0x85: {  	_ =	shalt  }
0x86: {  	_ =	shalt  }
0x87: {  	_ =	shalt  }
.Lfunc_end0:
.L_simem_size_0:
called_computation_lowered:
.L_overlay_start_0:
0x88: {  	s2 =	sld [smem:$0x3FD9]  }
0x89: {  	s3 =	sld [smem:$0x3FFE];
	_ =	sdelay $0x1  }
0x8a: {  	s1 =	srdreg.scid  }
0x8b: {  	s0 =	sand.u32 $0x1, s1  }
0x8c: {  	s18 =	sshll.u32 s0, $0xA;
	s2 =	sadd.s32 s3, s2  }
0x8d: {  	s2 =	sadd.s32 s2, s18  }
0x8e: {  	[smem:$0x3FC6] =	sst s2  }
0x8f: {  	_ = 	snop  }
0x90: {  	s2 =	sld [smem:$0x3FC9]  }
0x91: {  	s19 =	sld [smem:$0x3FC8]  }
0x92: {  	s4 =	sld [smem:$0x3FD0];
	(tm) =	ssettm $0x1  }
0x93: {  	s5 =	sld [smem:$0x3FFB];
	_ =	sdelay $0x3  }
0x94: {  	_ =	strace s5  }
0x95: {  	s5 =	sld [smem:$0x3FFC];
	_ =	sdelay $0x3  }
0x96: {  	_ =	strace s5  }
0x97: {  	s5 =	sld [smem:$0x3FFD];
	_ =	sdelay $0x3  }
0x98: {  	_ =	strace s5  }
0x99: {  	_ =	strace $0x8FFFFFFF  }
0x9a: {  	s20 =	sld [smem:$0x3FDB];
	_ =	sdelay $0x1  }
0x9b: {  	s6 =	simm.s32 $_scs_section_size  }
0x9c: {  	s7 =	simm.s32 $_size__tile_overlayer_lowered;
	s8 =	simm.s32 $_tile_overlayer_lowered  }
0x9d: {  	s23 =	simm.s32 $0x1BFF;
	s22 =	sshll.u32 s8, $0x1;
	s5 =	sadd.s32 s6, s20  }
0x9e: {  	s9 =	simm.s32 $0x0;
	s21 =	sshll.u32 s7, $0x1;
	s7 =	sadd.s32 s22, s5  }
0x9f: {  	[timem:s9], [sflag:s23] =	dma.local [hbm:s7], s21  }
0xa0: {  	_ =	swait.ge [sflag:s23], s21  }
0xa1: {  	s6 =	ssub.s32 $0x0, s21;
	[sflag:s23] =	ssyncset.done $0x0  }
0xa2: {  	[sflag:s23] =	ssyncadd.s32 s6;
	_ =	sdelay $0x1  }
0xa3: {  	s24 =	simm.s32 $0x1B8B  }
0xa4: {  	_ =	swait.ge [sflag:s24], $0x1  }
0xa5: {  	[sflag:s24] =	ssyncset.done $0x0  }
0xa6: {  	s25 =	simm.s32 $0x1B8E;
	[sflag:s24] =	ssyncadd.s32 $0xFFFFFFFF  }
0xa7: {  	s26 =	simm.s32 $execute0_lowered;
	[smem:$0x3FD2] =	sst s25  }
0xa8: {  	s6 =	sshll.u32 s26, $0x1;
	_ =	strace $0x80000046;
	[dreg:$0x1] =	wrdreg $0xFFFFFFFF  }
0xa9: {  	s28 =	simm.s32 $_size_execute0_lowered;
	s5 =	sadd.s32 s5, s6;
	[dreg:$0x0] =	wrdreg $0x0  }
0xaa: {  	s6 =	sshll.u32 s28, $0x1;
	[dreg:$0x2] =	wrdreg s5  }
0xab: {  	[dreg:$0x3] =	wrdreg s6  }
0xac: {  	[dreg:$0x4] =	wrdreg $0xC0  }
0xad: {  	_ =	task [dreg:s9], $0x5FFFF  }
0xae: {  	[dreg:$0x1] =	wrdreg $0xFFFFFFFF  }
0xaf: {  	[dreg:$0x0] =	wrdreg $0x60  }
0xb0: {  	[dreg:$0x2] =	wrdreg s2  }
0xb1: {  	[dreg:$0x3] =	wrdreg s19  }
0xb2: {  	[dreg:$0x4] =	wrdreg s4  }
0xb3: {  	[dreg:$0x5] =	wrdreg $0xC3000  }
0xb4: {  	[dreg:$0x6] =	wrdreg $0x9  }
0xb5: {  	_ =	task.clear_ibuf [dreg:s9], $0x7FFFF;
	_ =	strace $0x90000046  }
0xb6: {  	s29 =	simm.s32 $0x9;
	_ =	strace $0x80000048  }
0xb7: {  	_ =	swait.ge [sflag:s29], $0x1  }
0xb8: {  	[sflag:s29] =	ssyncadd.s32 $0xFFFFFFFF  }
0xb9: {  	_ =	strace $0x90000048  }
0xba: {  	_ =	sfence  }
0xbb: {  	s30 =	sld [smem:$0x0];
	_ =	sdelay $0x2  }
0xbc: {  	s31 =	sshll.u32 s1, $0xD;
	s1 =	sshrl.u32 s1, $0x2  }
0xbd: {  	s3 =	sand.u32 $0x4000, s31;
	s1 =	sadd.s32 s1, s30  }
0xbe: {  	s0 =	sor.u32 s3, s0;
	s1 =	sshll.u32 s1, $0x11  }
0xbf: {  	s0 =	sor.u32 s1, s0  }
0xc0: {  	s0 =	sadd.s32 $0x8F2B, s0  }
0xc1: {  	[sflag:s0] =	ssyncadd.remote.s32 $0x1  }
0xc2: {  	_ =	sfence.sel $0xFFFF  }
0xc3: {  	[dreg:$0x0] =	wrdreg $0xFFFFFFFF;
	(pc) =	sbr.abs _section_cstart, $3  }
0xc4: {  	[dreg:$0x1] =	wrdreg $0xFFFFFFFF  }
0xc5: {  	_ =	task.clear_ibuf [dreg:s9], $0x2FFFF;
	_ =	strace $0x9FFFFFFF  }
0xc6: {  	(tm) =	ssettm $0x7FFFFFFF  }
0xc7: {  	_ =	shalt  }
tec
execute0_lowered:
.L_overlay_start_1:
0x0: {  	(tag) =	ssettag $0x1  }
0x1: {  	s18 =	rddreg [dreg:$0x0]  }
0x2: {  	s0 =	rddreg [dreg:$0x1]  }
0x3: {  	s21 =	rddreg [dreg:$0x2]  }
0x4: {  	s3 =	rddreg [dreg:$0x3];
	s1 =	srdreg.scid;
	s4 =	simm.s32 $0x0  }
0x5: {  	s19 =	stileid.u32;
	s1 =	sand.u32 $0x1, s1;
	[smem:$0x7FF] =	sst s4  }
0x6: {  	s7 =	sshll.u32 s19, $0x1;
	s2 =	ssub.s32 $0x2, s1;
	_ =	strace $0x80000047  }
0x7: {  	s6 =	sor.u32 s1, s7;
	s7 =	ssub.s32 $0x12E8, s7;
	s5 =	sshrl.u32 s2, $0x1  }
0x8: {  	s12 =	sshll.u32 s6, $0x3;
	s13 =	sor.u32 $0x20, s6;
	s28 =	sshll.u32 s6, $0xA  }
0x9: {  	s14 =	sor.u32 $0x40, s6;
	[dreg:$0x6] =	wrdreg s7;
	s7 =	sadd.s32 s21, s28  }
0xa: {  	s20 =	sadd.s32 s0, s12;
	s28 =	sadd.s32 $0xED000, s3;
	[dreg:$0xc] =	wrdreg s7  }
0xb: {  	s16 =	sshll.u32 s13, $0x3;
	s17 =	sshll.u32 s14, $0x3;
	[dreg:$0x1f] =	wrdreg s28  }
0xc: {  	s13 =	sshll.u32 s13, $0xA;
	s12 =	sadd.s32 s0, s16;
	[dreg:$0x7] =	wrdreg s20  }
0xd: {  	s14 =	sshll.u32 s14, $0xA;
	s29 =	sadd.s32 s21, s13;
	[dreg:$0x8] =	wrdreg s12  }
0xe: {  	s2 =	ssub.s32 s2, s5;
	s31 =	sadd.s32 s21, s14;
	[dreg:$0xd] =	wrdreg s29  }
0xf: {  	s15 =	sor.u32 $0x60, s6;
	s2 =	smax.u32 s2, $0x1;
	[dreg:$0xe] =	wrdreg s31  }
0x10: {  	s16 =	sor.u32 $0x80, s6;
	s28 =	sadd.s32 $0x800, s20;
	[dreg:$0x11] =	wrdreg s2  }
0x11: {  	s13 =	sshll.u32 s15, $0xA;
	s12 =	sadd.s32 s0, s17;
	[smem:$0x7FB] =	sst s28  }
0x12: {  	s23 =	sshll.u32 s16, $0x3;
	s7 =	sadd.s32 s21, s13;
	[dreg:$0x9] =	wrdreg s12  }
0x13: {  	s14 =	sshll.u32 s16, $0xA;
	s16 =	sadd.s32 $0x128400, s3;
	[dreg:$0xf] =	wrdreg s7  }
0x14: {  	s29 =	sadd.s32 $0x1DA00, s18;
	[dreg:$0x19] =	wrdreg s16  }
0x15: {  	s31 =	sadd.s32 $0xD9400, s3;
	[smem:$0x7E8] =	sst s29  }
0x16: {  	s2 =	sadd.s32 $0xC5800, s3;
	[smem:$0x7E9] =	sst s31  }
0x17: {  	s22 =	sshll.u32 s15, $0x3;
	s13 =	sadd.s32 $0xED00, s18;
	[smem:$0x7EB] =	sst s2  }
0x18: {  	s30 =	simm.s32 $0xC;
	s12 =	sadd.s32 s0, s22;
	[smem:$0x7F2] =	sst s13  }
0x19: {  	s8 =	sadd.s32 $0x76800, s3;
	s15 =	sadd.s32 s21, s14;
	[dreg:$0xa] =	wrdreg s12  }
0x1a: {  	s9 =	sadd.s32 $0x4F000, s3;
	s22 =	sadd.s32 $0x114800, s3;
	[dreg:$0x10] =	wrdreg s15  }
0x1b: {  	s10 =	sadd.s32 $0x3B400, s3;
	s7 =	sadd.s32 $0xB1C00, s3;
	[dreg:$0x1b] =	wrdreg s22  }
0x1c: {  	s11 =	sadd.s32 $0x27800, s3;
	s14 =	sadd.s32 $0xC580, s18;
	[smem:$0x7ED] =	sst s7  }
0x1d: {  	s24 =	sshll.u32 s19, $0xB;
	s16 =	sadd.s32 $0x7680, s18;
	[smem:$0x7F3] =	sst s14  }
0x1e: {  	s25 =	sshll.u32 s19, $0x4;
	s29 =	sadd.s32 $0x900, s20;
	[smem:$0x7F5] =	sst s16  }
0x1f: {  	p1 =	sgt.s32 s19, $0x1;
	s31 =	sadd.s32 $0xA00, s20;
	[smem:$0x7FC] =	sst s29  }
0x20: {  	p0 =	seq.s32 @p1 s19, $0x2;
	s12 =	sadd.s32 s0, s23;
	[smem:$0x7FD] =	sst s31  }
0x21: {  	s0 =	sadd.s32 s25, s0;
	s25 =	sadd.s32 $0x100C00, s3;
	[dreg:$0xb] =	wrdreg s12  }
0x22: {  	p2 =	por !p0, !p1;
	s15 =	sadd.s32 $0x9E00, s18;
	[dreg:$0x1d] =	wrdreg s25  }
0x23: {  	s17 =	sshll.u32 s1, $0xA;
	s22 =	sadd.s32 $0x2780, s18;
	[smem:$0x7F4] =	sst s15  }
0x24: {  	s12 =	sor.u32 s17, s24;
	s17 =	sadd.s32 $0x25080, s18;
	[smem:$0x7F7] =	sst s22  }
0x25: {  	s1 =	sshll.u32 s1, $0x3;
	s24 =	sadd.s32 $0x22900, s18;
	[dreg:$0x1a] =	wrdreg s17  }
0x26: {  	s0 =	sadd.s32 s1, s0;
	s25 =	sadd.s32 $0x600, s20;
	[dreg:$0x1c] =	wrdreg s24  }
0x27: {  	s26 =	sor.u32 $0x28000, s12;
	s23 =	sadd.s32 $0x1000, s0;
	[smem:$0x7F9] =	sst s25  }
0x28: {  	s0 =	simm.s32 @!p2 $0x0;
	s17 =	sadd.s32 $0x4F00, s18;
	[dreg:$0x5] =	wrdreg s26  }
0x29: {  	p3 =	sgt.s32 s19, $0x5;
	s0 =	simm.s32 @p2 $0x1;
	[smem:$0x7F6] =	sst s17  }
0x2a: {  	[smem:$0x7DC] =	sst s0;
	s0 =	sshrl.u32 @!p2 s11, $0x3;
	p2 =	por p0, !p1  }
0x2b: {  	s24 =	sadd.s32 $0x500, s20;
	[dreg:$0x12] =	wrdreg s0;
	s0 =	simm.s32 @!p2 $0x0  }
0x2c: {  	s5 =	sadd.s32 $0x8A400, s3;
	[smem:$0x7F8] =	sst s24;
	s0 =	simm.s32 @p2 $0x1  }
0x2d: {  	s7 =	simm.s32 $0x12;
	[smem:$0x7DD] =	sst s0;
	s0 =	sshrl.u32 @!p2 s10, $0x3  }
0x2e: {  	p0 =	seq.s32 @!p1 s19, $0x0;
	[dreg:$0x13] =	wrdreg s0;
	s0 =	simm.s32 @!p1 $0x0  }
0x2f: {  	p2 =	por p0, p1;
	p0 =	por !p0, p1;
	s0 =	simm.s32 @p1 $0x1  }
0x30: {  	s26 =	sadd.s32 $0x20180, s18;
	[smem:$0x7DE] =	sst s0;
	s0 =	simm.s32 @!p0 $0x0  }
0x31: {  	s1 =	sadd.s32 $0x13C00, s3;
	[dreg:$0x1e] =	wrdreg s26;
	s0 =	simm.s32 @p0 $0x1  }
0x32: {  	s11 =	sadd.s32 $0x11480, s18;
	[smem:$0x7DF] =	sst s0;
	s0 =	simm.s32 @!p2 $0x0  }
0x33: {  	[smem:$0x7F1] =	sst s11;
	p0 =	seq.s32 @p3 s19, $0x6;
	s0 =	simm.s32 @p2 $0x1  }
0x34: {  	p1 =	por !p0, !p3;
	[smem:$0x7E0] =	sst s0;
	s0 =	sshrl.u32 @!p2 s1, $0x3  }
0x35: {  	s26 =	sadd.s32 $0x700, s20;
	[dreg:$0x14] =	wrdreg s0;
	s0 =	simm.s32 @!p1 $0x0  }
0x36: {  	s17 =	simm.s32 $0x10;
	[smem:$0x7FA] =	sst s26;
	s0 =	simm.s32 @p1 $0x1  }
0x37: {  	p2 =	por p0, !p3;
	[smem:$0x7E1] =	sst s0;
	s0 =	sshrl.u32 @!p1 s8, $0x3  }
0x38: {  	s10 =	sadd.s32 $0x13C00, s18;
	[dreg:$0x15] =	wrdreg s0;
	s0 =	simm.s32 @!p2 $0x0  }
0x39: {  	[smem:$0x7F0] =	sst s10;
	p0 =	seq.s32 @!p3 s19, $0x4;
	s0 =	simm.s32 @p2 $0x1  }
0x3a: {  	p1 =	por !p0, p3;
	[smem:$0x7E2] =	sst s0;
	s0 =	sshrl.u32 @!p2 s5, $0x3  }
0x3b: {  	s8 =	sadd.s32 $0x16380, s18;
	[dreg:$0x16] =	wrdreg s0;
	s0 =	simm.s32 @!p1 $0x0  }
0x3c: {  	p0 =	por p0, p3;
	[smem:$0x7EE] =	sst s8;
	s0 =	simm.s32 @p1 $0x1  }
0x3d: {  	s1 =	simm.s32 @!p0 $0x0;
	[smem:$0x7E3] =	sst s0;
	s0 =	sshrl.u32 @!p1 s9, $0x3  }
0x3e: {  	s1 =	simm.s32 @p0 $0x1;
	[dreg:$0x17] =	wrdreg s0;
	s0 =	simm.s32 @!p3 $0x0  }
0x3f: {  	s10 =	simm.s32 $0xA300;
	[smem:$0x7E5] =	sst s1;
	s0 =	simm.s32 @p3 $0x1  }
0x40: {  	s1 =	sadd.s32 $0x1B280, s18;
	[smem:$0x7E4] =	sst s0;
	s0 =	sadd.s32 $0x62C00, s3  }
0x41: {  	[smem:$0x7EA] =	sst s1;
	s0 =	sshrl.u32 @!p0 s0, $0x3;
	p0 =	sgt.s32 s19, $0x7  }
0x42: {  	s5 =	sadd.s32 $0x18B00, s18;
	[dreg:$0x18] =	wrdreg s0;
	s0 =	simm.s32 @!p0 $0x0  }
0x43: {  	[smem:$0x7EC] =	sst s5;
	s0 =	simm.s32 @p0 $0x1;
	p0 =	sgt.s32 s19, $0x3  }
0x44: {  	s9 =	sadd.s32 $0x9E000, s3;
	[smem:$0x7E6] =	sst s0;
	s0 =	simm.s32 @!p0 $0x0  }
0x45: {  	s8 =	simm.s32 $0x11;
	[smem:$0x7EF] =	sst s9;
	s0 =	simm.s32 @p0 $0x1  }
0x46: {  	s1 =	simm.s32 $0x40;
	s5 =	simm.s32 $0x0;
	[smem:$0x7E7] =	sst s0  }
.LBB2_1:
0x47: {  	s0 =	sld [smem:$0x7E6];
	_ =	sdelay $0x2  }
0x48: {  	p0 =	seq.s32 s0, $0x1  }
.Ltmp0:
0x49: {  	_ = 	snop;
	(pc) =	sbr.rel @p0 .LBB2_5-.Ltmp0, $1  }
0x4a: {  	_ =	sdelay $0x3  }
0x4b: {  	s0 =	sld [smem:$0x7E7];
	_ =	sdelay $0x2  }
0x4c: {  	p0 =	seq.s32 s0, $0x1  }
.Ltmp1:
0x4d: {  	_ = 	snop;
	(pc) =	sbr.rel @p0 .LBB2_4-.Ltmp1, $1  }
0x4e: {  	_ =	sdelay $0x3  }
0x4f: {  	s0 =	sld [smem:$0x7DC];
	_ =	sdelay $0x1  }
0x50: {  	s9 =	sld [smem:$0x7F6]  }
0x51: {  	p3 =	seq.s32 s0, $0x1  }
0x52: {  	s0 =	rddreg [dreg:$0x12];
	s2 =	simm.s32 @!p3 $0x1C93  }
0x53: {  	[spmem:s0], [sflag:s2] =	dma.local @!p3 [hbm:s9], $0x2780  }
0x54: {  	s0 =	sld [smem:$0x7DD];
	_ =	sdelay $0x1  }
0x55: {  	s9 =	sld [smem:$0x7F5]  }
0x56: {  	p2 =	seq.s32 s0, $0x1  }
0x57: {  	s0 =	rddreg [dreg:$0x13];
	s2 =	simm.s32 @!p2 $0x1CD3  }
0x58: {  	[spmem:s0], [sflag:s2] =	dma.local @!p2 [hbm:s9], $0x2780  }
0x59: {  	s0 =	sld [smem:$0x7DF];
	_ =	sdelay $0x2  }
0x5a: {  	p1 =	seq.s32 s0, $0x1  }
0x5b: {  	s0 =	rddreg [dreg:$0x0];
	s2 =	sshrl.u32 @!p1 s3, $0x3;
	s9 =	simm.s32 @!p1 $0x1C13  }
0x5c: {  	[spmem:s2], [sflag:s9] =	dma.local @!p1 [hbm:s0], $0x2780  }
0x5d: {  	s0 =	sld [smem:$0x7E0];
	_ =	sdelay $0x1  }
0x5e: {  	p5 =	por @!p3 $0x0, $0x0;
	p0 =	por @!p2 $0x1, $0x1;
	s9 =	sld [smem:$0x7F7]  }
0x5f: {  	p4 =	por @!p2 $0x0, $0x0;
	p2 =	por @!p2 $0x0, $0x0;
	p6 =	seq.s32 s0, $0x1  }
0x60: {  	p0 =	por @!p3 p5, p5;
	s0 =	rddreg [dreg:$0x14];
	s2 =	simm.s32 @!p6 $0x1C53  }
0x61: {  	[spmem:s0], [sflag:s2] =	dma.local @!p6 [hbm:s9], $0x2780  }
0x62: {  	p4 =	por @!p3 p5, p5;
	p5 =	por @!p6 $0x1, $0x1;
	s0 =	simm.s32 @!p0 $0x0  }
0x63: {  	s0 =	simm.s32 @p0 $0x1;
	p0 =	por @!p3 $0x1, $0x1;
	s29 =	sld [smem:$0x7DE]  }
0x64: {  	p2 =	por @!p3 p0, p0;
	p0 =	por @!p6 $0x0, $0x0;
	p6 =	por @!p1 $0x0, $0x0  }
0x65: {  	p5 =	por @!p1 p6, p6  }
0x66: {  	p0 =	por @!p1 p6, p6;
	p1 =	por p4, p4;
	p6 =	seq.s32 s29, $0x1  }
0x67: {  	[smem:$0x7D7] =	sst s0;
	p3 =	por p4, p4;
	p1 =	por @!p6 p0, p0  }
0x68: {  	p3 =	por @!p6 p5, p5;
	p5 =	por p4, p4;
	s0 =	simm.s32 @!p1 $0x0  }
0x69: {  	p5 =	por @!p6 p0, p0;
	s0 =	simm.s32 @p1 $0x1  }
0x6a: {  	p1 =	por p4, p4;
	[smem:$0x7D1] =	sst s0;
	s0 =	simm.s32 @!p5 $0x0  }
0x6b: {  	p1 =	por @!p6 p0, p0;
	s0 =	simm.s32 @p5 $0x1  }
0x6c: {  	p5 =	por p4, p4;
	[smem:$0x7D2] =	sst s0;
	s0 =	simm.s32 @!p1 $0x0  }
0x6d: {  	p5 =	por @!p6 p0, p0;
	s0 =	simm.s32 @p1 $0x1  }
0x6e: {  	p1 =	por p4, p4;
	[smem:$0x7D3] =	sst s0;
	s0 =	simm.s32 @!p5 $0x0  }
0x6f: {  	s31 =	sld [smem:$0x7D7];
	p1 =	por @!p6 p0, p0;
	s0 =	simm.s32 @p5 $0x1  }
0x70: {  	p5 =	por p4, p4;
	[smem:$0x7D4] =	sst s0;
	s0 =	simm.s32 @!p1 $0x0  }
0x71: {  	p5 =	por @!p6 p0, p0;
	s0 =	simm.s32 @p1 $0x1  }
0x72: {  	p1 =	seq.s32 s31, $0x1;
	[smem:$0x7D5] =	sst s0;
	s0 =	simm.s32 @!p5 $0x0  }
0x73: {  	p1 =	por @!p6 p0, p0;
	s0 =	simm.s32 @p5 $0x1  }
0x74: {  	[smem:$0x7D6] =	sst s0;
	s0 =	simm.s32 @!p1 $0x0  }
0x75: {  	s0 =	simm.s32 @p1 $0x1;
	p1 =	por p4, p4  }
0x76: {  	p1 =	por @!p6 p0, p0  }
0x77: {  	p5 =	por p4, p4;
	[smem:$0x7D7] =	sst s0;
	s0 =	simm.s32 @!p1 $0x0  }
0x78: {  	p5 =	por @!p6 p0, p0;
	s0 =	simm.s32 @p1 $0x1  }
0x79: {  	p1 =	por p4, p4;
	[smem:$0x7D8] =	sst s0;
	s0 =	simm.s32 @!p5 $0x0  }
0x7a: {  	p1 =	por @!p6 p0, p0;
	s0 =	simm.s32 @p5 $0x1;
	p5 =	por p4, p4  }
.Ltmp2:
0x7b: {  	[smem:$0x7D9] =	sst s0;
	s0 =	simm.s32 @!p1 $0x0;
	(pc) =	sbr.rel .LBB2_8-.Ltmp2, $4  }
0x7c: {  	p5 =	por @!p6 p0, p0;
	s0 =	simm.s32 @p1 $0x1  }
0x7d: {  	[smem:$0x7DA] =	sst s0;
	s0 =	simm.s32 @!p5 $0x0  }
0x7e: {  	p2 =	por @!p6 p0, p0;
	s0 =	simm.s32 @p5 $0x1;
	p5 =	por p4, p4  }
0x7f: {  	p4 =	por @!p6 p0, p0;
	[smem:$0x7DB] =	sst s0;
	p5 =	por @!p6 p0, p0  }
.LBB2_5:
0x80: {  	p0 =	sgt.s32 s19, $0xB  }
.Ltmp3:
0x81: {  	_ = 	snop;
	(pc) =	sbr.rel @p0 .LBB2_7-.Ltmp3, $1  }
0x82: {  	_ =	sdelay $0x3  }
0x83: {  	p6 =	sgt.s32 s19, $0x9;
	s0 =	sld [smem:$0x7EB]  }
0x84: {  	p1 =	seq.s32 @p6 s19, $0xA  }
0x85: {  	p0 =	por !p1, !p6  }
0x86: {  	s2 =	sshrl.u32 @!p0 s0, $0x3;
	s0 =	sld [smem:$0x7EC];
	_ =	sdelay $0x1  }
0x87: {  	s9 =	simm.s32 @!p0 $0x1E93  }
0x88: {  	[spmem:s2], [sflag:s9] =	dma.local @!p0 [hbm:s0], $0x2780  }
0x89: {  	s0 =	sld [smem:$0x7E9];
	_ =	sdelay $0x1  }
0x8a: {  	p2 =	por p1, !p6  }
0x8b: {  	s2 =	sshrl.u32 @!p2 s0, $0x3;
	s0 =	sld [smem:$0x7EA];
	_ =	sdelay $0x1  }
0x8c: {  	p3 =	por @!p2 $0x0, $0x0;
	s9 =	simm.s32 @!p2 $0x1ED3  }
0x8d: {  	[spmem:s2], [sflag:s9] =	dma.local @!p2 [hbm:s0], $0x2780  }
0x8e: {  	s0 =	simm.s32 @!p3 $0x0  }
0x8f: {  	s0 =	simm.s32 @p3 $0x1  }
0x90: {  	[smem:$0x7DB] =	sst s0  }
0x91: {  	s0 =	sld [smem:$0x7EF]  }
0x92: {  	p4 =	seq.s32 @!p6 s19, $0x8  }
0x93: {  	p1 =	por !p4, p6  }
0x94: {  	s2 =	sshrl.u32 @!p1 s0, $0x3;
	s0 =	sld [smem:$0x7F0];
	_ =	sdelay $0x1  }
0x95: {  	s9 =	simm.s32 @!p1 $0x1E13;
	p2 =	por @!p2 $0x1, $0x1  }
0x96: {  	[spmem:s2], [sflag:s9] =	dma.local @!p1 [hbm:s0], $0x2780  }
0x97: {  	s0 =	simm.s32 @!p2 $0x0  }
0x98: {  	s0 =	simm.s32 @p2 $0x1  }
0x99: {  	[smem:$0x7D3] =	sst s0  }
0x9a: {  	s0 =	sld [smem:$0x7ED];
	_ =	sdelay $0x1  }
0x9b: {  	p2 =	por p4, p6  }
0x9c: {  	s2 =	sshrl.u32 @!p2 s0, $0x3;
	s0 =	sld [smem:$0x7EE];
	_ =	sdelay $0x1  }
0x9d: {  	s9 =	simm.s32 @!p2 $0x1E53  }
0x9e: {  	[spmem:s2], [sflag:s9] =	dma.local @!p2 [hbm:s0], $0x2780  }
0x9f: {  	s0 =	sld [smem:$0x7D3];
	_ =	sdelay $0x1  }
0xa0: {  	p5 =	por @!p0 $0x0, $0x0;
	p4 =	por p3, p3  }
0xa1: {  	p3 =	por @!p0 $0x0, $0x0;
	p4 =	por @!p0 p5, p5;
	p5 =	seq.s32 s0, $0x1  }
0xa2: {  	p5 =	por @!p0 p3, p3  }
0xa3: {  	s26 =	sld [smem:$0x7DB];
	s0 =	simm.s32 @!p5 $0x0  }
0xa4: {  	p3 =	por @!p2 $0x0, $0x0;
	s0 =	simm.s32 @p5 $0x1  }
0xa5: {  	[smem:$0x7D3] =	sst s0;
	s0 =	simm.s32 @!p3 $0x0  }
0xa6: {  	p5 =	por @!p0 $0x1, $0x1;
	s0 =	simm.s32 @p3 $0x1;
	p3 =	seq.s32 s26, $0x1  }
0xa7: {  	p3 =	por @!p0 p5, p5  }
0xa8: {  	[smem:$0x7CF] =	sst s0;
	s0 =	simm.s32 @!p3 $0x0  }
0xa9: {  	s0 =	simm.s32 @p3 $0x1;
	p3 =	por @!p2 $0x1, $0x1;
	p2 =	por @!p1 $0x0, $0x0  }
0xaa: {  	s28 =	sld [smem:$0x7CF];
	p3 =	por @!p1 p2, p2  }
0xab: {  	[smem:$0x7DB] =	sst s0;
	s0 =	simm.s32 @!p3 $0x0  }
0xac: {  	s0 =	simm.s32 @p3 $0x1  }
0xad: {  	[smem:$0x7D0] =	sst s0  }
0xae: {  	p5 =	seq.s32 s28, $0x1;
	s0 =	sld [smem:$0x7D0]  }
0xaf: {  	p0 =	por p5, p5  }
0xb0: {  	p3 =	por @!p1 $0x1, $0x1;
	p0 =	por @!p1 p2, p2  }
0xb1: {  	p2 =	por p4, p4;
	p5 =	por @!p1 p3, p3;
	p1 =	seq.s32 s0, $0x1  }
0xb2: {  	p2 =	por @!p6 p1, p1  }
0xb3: {  	s0 =	simm.s32 @!p2 $0x0  }
0xb4: {  	s0 =	simm.s32 @p2 $0x1;
	p2 =	por p4, p4  }
0xb5: {  	p2 =	por @!p6 p5, p5  }
0xb6: {  	p1 =	por p4, p4;
	[smem:$0x7D4] =	sst s0;
	s0 =	simm.s32 @!p2 $0x0  }
0xb7: {  	p1 =	por @!p6 p0, p0;
	s0 =	simm.s32 @p2 $0x1  }
0xb8: {  	[smem:$0x7DA] =	sst s0;
	s0 =	simm.s32 @!p1 $0x0  }
0xb9: {  	s29 =	sld [smem:$0x7D3];
	s0 =	simm.s32 @p1 $0x1;
	p1 =	por p4, p4  }
0xba: {  	p1 =	por @!p6 p0, p0  }
0xbb: {  	[smem:$0x7D1] =	sst s0;
	s0 =	simm.s32 @!p1 $0x0  }
0xbc: {  	s0 =	simm.s32 @p1 $0x1;
	p1 =	seq.s32 s29, $0x1  }
0xbd: {  	p1 =	por @!p6 p0, p0  }
0xbe: {  	[smem:$0x7D2] =	sst s0;
	s0 =	simm.s32 @!p1 $0x0  }
0xbf: {  	s0 =	simm.s32 @p1 $0x1;
	p1 =	por p4, p4  }
0xc0: {  	p1 =	por @!p6 p0, p0  }
0xc1: {  	p2 =	por p4, p4;
	[smem:$0x7D3] =	sst s0;
	s0 =	simm.s32 @!p1 $0x0  }
0xc2: {  	p2 =	por @!p6 p0, p0;
	s0 =	simm.s32 @p1 $0x1  }
0xc3: {  	p1 =	por p4, p4;
	[smem:$0x7D5] =	sst s0;
	s0 =	simm.s32 @!p2 $0x0  }
0xc4: {  	p1 =	por @!p6 p0, p0;
	s0 =	simm.s32 @p2 $0x1  }
0xc5: {  	[smem:$0x7D6] =	sst s0;
	s0 =	simm.s32 @!p1 $0x0  }
0xc6: {  	s0 =	simm.s32 @p1 $0x1;
	p1 =	por p4, p4  }
0xc7: {  	s31 =	sld [smem:$0x7DB];
	p1 =	por @!p6 p0, p0  }
0xc8: {  	p5 =	por p4, p4;
	[smem:$0x7D7] =	sst s0;
	s0 =	simm.s32 @!p1 $0x0  }
0xc9: {  	p5 =	por @!p6 p0, p0;
	s0 =	simm.s32 @p1 $0x1  }
0xca: {  	p3 =	por p4, p4;
	[smem:$0x7D8] =	sst s0;
	s0 =	simm.s32 @!p5 $0x0  }
.Ltmp4:
0xcb: {  	s0 =	simm.s32 @p5 $0x1;
	p5 =	seq.s32 s31, $0x1;
	(pc) =	sbr.rel .LBB2_8-.Ltmp4, $4  }
0xcc: {  	p3 =	por @!p6 p0, p0;
	p5 =	por @!p6 p0, p0  }
0xcd: {  	p2 =	por p4, p4;
	[smem:$0x7D9] =	sst s0;
	s0 =	simm.s32 @!p5 $0x0  }
0xce: {  	p2 =	por @!p6 p0, p0;
	s0 =	simm.s32 @p5 $0x1;
	p5 =	por p4, p4  }
0xcf: {  	p4 =	por @!p6 p0, p0;
	[smem:$0x7DB] =	sst s0;
	p5 =	por @!p6 p0, p0  }
.LBB2_4:
0xd0: {  	s0 =	sld [smem:$0x7E1];
	_ =	sdelay $0x1  }
0xd1: {  	s9 =	sld [smem:$0x7F2]  }
0xd2: {  	p2 =	seq.s32 s0, $0x1  }
0xd3: {  	s0 =	rddreg [dreg:$0x15];
	s2 =	simm.s32 @!p2 $0x1D93  }
0xd4: {  	[spmem:s0], [sflag:s2] =	dma.local @!p2 [hbm:s9], $0x2780  }
0xd5: {  	s0 =	sld [smem:$0x7E2];
	_ =	sdelay $0x1  }
0xd6: {  	s9 =	sld [smem:$0x7F1]  }
0xd7: {  	p1 =	por @!p2 $0x0, $0x0;
	p3 =	seq.s32 s0, $0x1  }
0xd8: {  	s0 =	rddreg [dreg:$0x16];
	s2 =	simm.s32 @!p3 $0x1DD3;
	p5 =	por @!p3 $0x1, $0x1  }
0xd9: {  	[spmem:s0], [sflag:s2] =	dma.local @!p3 [hbm:s9], $0x2780  }
0xda: {  	p5 =	por @!p2 p1, p1;
	s26 =	sld [smem:$0x7E3]  }
0xdb: {  	s0 =	simm.s32 @!p5 $0x0  }
0xdc: {  	s9 =	sld [smem:$0x7F4];
	s0 =	simm.s32 @p5 $0x1  }
0xdd: {  	p0 =	por @!p2 $0x1, $0x1;
	[smem:$0x7D5] =	sst s0;
	p5 =	seq.s32 s26, $0x1  }
0xde: {  	p6 =	por @!p3 $0x0, $0x0;
	s0 =	rddreg [dreg:$0x17];
	s2 =	simm.s32 @!p5 $0x1D13  }
0xdf: {  	[spmem:s0], [sflag:s2] =	dma.local @!p5 [hbm:s9], $0x2780  }
0xe0: {  	p6 =	por @!p2 p0, p0;
	s28 =	sld [smem:$0x7E5]  }
0xe1: {  	s0 =	simm.s32 @!p6 $0x0  }
0xe2: {  	s0 =	simm.s32 @p6 $0x1;
	s9 =	sld [smem:$0x7F3]  }
0xe3: {  	p4 =	por @!p3 $0x0, $0x0;
	[smem:$0x7D9] =	sst s0;
	p3 =	seq.s32 s28, $0x1  }
0xe4: {  	s0 =	rddreg [dreg:$0x18];
	s2 =	simm.s32 @!p3 $0x1D53  }
0xe5: {  	[spmem:s0], [sflag:s2] =	dma.local @!p3 [hbm:s9], $0x2780  }
0xe6: {  	p4 =	por @!p2 p1, p1;
	p0 =	por @!p5 $0x1, $0x1;
	s0 =	sld [smem:$0x7E4]  }
0xe7: {  	p1 =	por @!p5 $0x0, $0x0;
	p2 =	por @!p3 $0x1, $0x1;
	p6 =	por @!p3 $0x0, $0x0  }
0xe8: {  	p6 =	por @!p5 p1, p1;
	p2 =	por @!p5 p1, p1;
	p3 =	por @!p3 $0x0, $0x0  }
0xe9: {  	p1 =	por p4, p4;
	p3 =	por @!p5 p0, p0;
	p0 =	seq.s32 s0, $0x1  }
0xea: {  	p1 =	por @!p0 p2, p2  }
0xeb: {  	s0 =	simm.s32 @!p1 $0x0  }
0xec: {  	s0 =	simm.s32 @p1 $0x1;
	p1 =	por p4, p4  }
0xed: {  	p1 =	por @!p0 p3, p3  }
0xee: {  	p2 =	por p4, p4;
	[smem:$0x7D6] =	sst s0;
	s0 =	simm.s32 @!p1 $0x0  }
0xef: {  	p2 =	por @!p0 p6, p6;
	s0 =	simm.s32 @p1 $0x1  }
0xf0: {  	p3 =	por p4, p4;
	[smem:$0x7D8] =	sst s0;
	s0 =	simm.s32 @!p2 $0x0  }
0xf1: {  	p3 =	por @!p0 p6, p6;
	s0 =	simm.s32 @p2 $0x1  }
0xf2: {  	p2 =	por p4, p4;
	[smem:$0x7D1] =	sst s0;
	s0 =	simm.s32 @!p3 $0x0  }
0xf3: {  	p2 =	por @!p0 p6, p6;
	s0 =	simm.s32 @p3 $0x1  }
0xf4: {  	[smem:$0x7D2] =	sst s0;
	s0 =	simm.s32 @!p2 $0x0  }
0xf5: {  	s29 =	sld [smem:$0x7D5];
	s0 =	simm.s32 @p2 $0x1;
	p2 =	por p4, p4  }
0xf6: {  	p2 =	por @!p0 p6, p6  }
0xf7: {  	[smem:$0x7D3] =	sst s0;
	s0 =	simm.s32 @!p2 $0x0  }
0xf8: {  	s0 =	simm.s32 @p2 $0x1;
	p2 =	seq.s32 s29, $0x1  }
0xf9: {  	s31 =	sld [smem:$0x7D9];
	p2 =	por @!p0 p6, p6  }
0xfa: {  	[smem:$0x7D4] =	sst s0;
	s0 =	simm.s32 @!p2 $0x0  }
0xfb: {  	s0 =	simm.s32 @p2 $0x1;
	p2 =	por p4, p4  }
0xfc: {  	p2 =	por @!p0 p6, p6  }
0xfd: {  	p5 =	seq.s32 s31, $0x1;
	[smem:$0x7D5] =	sst s0;
	s0 =	simm.s32 @!p2 $0x0  }
0xfe: {  	p5 =	por @!p0 p6, p6;
	p1 =	por p4, p4;
	s0 =	simm.s32 @p2 $0x1  }
0xff: {  	p1 =	por @!p0 p6, p6;
	[smem:$0x7D7] =	sst s0;
	s0 =	simm.s32 @!p5 $0x0  }
0x100: {  	p3 =	por p4, p4;
	s0 =	simm.s32 @p5 $0x1;
	p5 =	por p4, p4  }
.Ltmp5:
0x101: {  	[smem:$0x7D9] =	sst s0;
	s0 =	simm.s32 @!p1 $0x0;
	(pc) =	sbr.rel .LBB2_8-.Ltmp5, $4  }
0x102: {  	p3 =	por @!p0 p6, p6;
	p5 =	por @!p0 p6, p6;
	s0 =	simm.s32 @p1 $0x1  }
0x103: {  	p2 =	por p4, p4;
	[smem:$0x7DA] =	sst s0;
	s0 =	simm.s32 @!p5 $0x0  }
0x104: {  	p2 =	por @!p0 p6, p6;
	s0 =	simm.s32 @p5 $0x1;
	p5 =	por p4, p4  }
0x105: {  	p4 =	por @!p0 p6, p6;
	[smem:$0x7DB] =	sst s0;
	p5 =	por @!p0 p6, p6  }
.LBB2_7:
0x106: {  	p6 =	sgt.s32 s19, $0xD  }
0x107: {  	p1 =	seq.s32 @p6 s19, $0xE  }
0x108: {  	s0 =	rddreg [dreg:$0x1b];
	p0 =	por !p1, !p6  }
0x109: {  	s2 =	sshrl.u32 @!p0 s0, $0x3;
	s9 =	simm.s32 @!p0 $0x1F93;
	s0 =	rddreg [dreg:$0x1c]  }
0x10a: {  	[spmem:s2], [sflag:s9] =	dma.local @!p0 [hbm:s0], $0x2780  }
0x10b: {  	p3 =	seq.s32 @!p6 s19, $0xC;
	p2 =	por p1, !p6;
	s0 =	rddreg [dreg:$0x19]  }
0x10c: {  	s9 =	simm.s32 @!p2 $0x1FD3;
	s2 =	sshrl.u32 @!p2 s0, $0x3;
	s0 =	rddreg [dreg:$0x1a]  }
0x10d: {  	[spmem:s2], [sflag:s9] =	dma.local @!p2 [hbm:s0], $0x2080  }
0x10e: {  	p1 =	por !p3, p6;
	s0 =	rddreg [dreg:$0x1f]  }
0x10f: {  	p4 =	por @!p2 $0x0, $0x0;
	s2 =	sshrl.u32 @!p1 s0, $0x3;
	s0 =	sld [smem:$0x7E8]  }
0x110: {  	p5 =	por @!p2 $0x1, $0x1;
	p2 =	por p3, p6;
	p3 =	por @!p0 $0x0, $0x0  }
0x111: {  	s9 =	simm.s32 @!p1 $0x1F13;
	p5 =	por @!p0 p3, p3  }
0x112: {  	[spmem:s2], [sflag:s9] =	dma.local @!p1 [hbm:s0], $0x2780  }
0x113: {  	s0 =	simm.s32 @!p5 $0x0  }
0x114: {  	s0 =	simm.s32 @p5 $0x1  }
0x115: {  	p5 =	por p4, p4;
	[smem:$0x7D1] =	sst s0  }
0x116: {  	s9 =	simm.s32 @!p2 $0x1F53;
	s0 =	rddreg [dreg:$0x1d];
	p5 =	por @!p0 p3, p3  }
0x117: {  	p3 =	por @!p2 $0x0, $0x0;
	s2 =	sshrl.u32 @!p2 s0, $0x3;
	s0 =	rddreg [dreg:$0x1e]  }
0x118: {  	[spmem:s2], [sflag:s9] =	dma.local @!p2 [hbm:s0], $0x2780  }
0x119: {  	s0 =	simm.s32 @!p3 $0x0  }
0x11a: {  	s0 =	simm.s32 @p3 $0x1;
	p3 =	por @!p0 $0x1, $0x1  }
0x11b: {  	p4 =	por @!p0 p3, p3;
	p0 =	por @!p2 $0x1, $0x1  }
0x11c: {  	[smem:$0x7CB] =	sst s0;
	s0 =	simm.s32 @!p0 $0x0  }
0x11d: {  	s2 =	sld [smem:$0x7CB];
	s0 =	simm.s32 @p0 $0x1  }
0x11e: {  	[smem:$0x7CC] =	sst s0  }
0x11f: {  	s9 =	sld [smem:$0x7CC];
	_ =	sdelay $0x1  }
0x120: {  	p3 =	por @!p1 $0x0, $0x0;
	p0 =	seq.s32 s2, $0x1  }
0x121: {  	p2 =	por @!p1 $0x0, $0x0;
	p0 =	por @!p1 p3, p3;
	p3 =	seq.s32 s9, $0x1  }
0x122: {  	p3 =	por @!p1 p2, p2  }
0x123: {  	s0 =	simm.s32 @!p3 $0x0  }
0x124: {  	s11 =	sld [smem:$0x7CB];
	s0 =	simm.s32 @p3 $0x1  }
0x125: {  	[smem:$0x7CC] =	sst s0;
	s0 =	simm.s32 @!p5 $0x0  }
0x126: {  	s0 =	simm.s32 @p5 $0x1;
	s13 =	sld [smem:$0x7CC]  }
0x127: {  	[smem:$0x7D2] =	sst s0  }
0x128: {  	s14 =	sld [smem:$0x7D2]  }
0x129: {  	p2 =	seq.s32 s11, $0x1;
	p3 =	por @!p1 $0x1, $0x1  }
0x12a: {  	p2 =	por @!p1 p3, p3  }
0x12b: {  	p1 =	por p2, p2;
	p2 =	seq.s32 s13, $0x1;
	p3 =	seq.s32 s14, $0x1  }
0x12c: {  	p3 =	por @!p6 p2, p2  }
0x12d: {  	s0 =	simm.s32 @!p3 $0x0  }
0x12e: {  	s0 =	simm.s32 @p3 $0x1  }
0x12f: {  	[smem:$0x7D2] =	sst s0;
	s0 =	simm.s32 @!p5 $0x0  }
0x130: {  	s0 =	simm.s32 @p5 $0x1  }
0x131: {  	[smem:$0x7D3] =	sst s0;
	s0 =	simm.s32 @!p5 $0x0  }
0x132: {  	s0 =	simm.s32 @p5 $0x1  }
0x133: {  	[smem:$0x7D5] =	sst s0;
	s0 =	simm.s32 @!p5 $0x0  }
0x134: {  	s0 =	simm.s32 @p5 $0x1  }
0x135: {  	[smem:$0x7D6] =	sst s0;
	s0 =	simm.s32 @!p5 $0x0  }
0x136: {  	s0 =	simm.s32 @p5 $0x1  }
0x137: {  	[smem:$0x7D7] =	sst s0;
	s0 =	simm.s32 @!p5 $0x0  }
0x138: {  	s0 =	simm.s32 @p5 $0x1  }
0x139: {  	[smem:$0x7CD] =	sst s0;
	s0 =	simm.s32 @!p5 $0x0  }
0x13a: {  	s0 =	simm.s32 @p5 $0x1  }
0x13b: {  	[smem:$0x7CE] =	sst s0;
	s0 =	simm.s32 @!p5 $0x0  }
0x13c: {  	s0 =	simm.s32 @p5 $0x1  }
0x13d: {  	[smem:$0x7D8] =	sst s0;
	s0 =	simm.s32 @!p5 $0x0  }
0x13e: {  	s15 =	sld [smem:$0x7D1];
	s0 =	simm.s32 @p5 $0x1  }
0x13f: {  	[smem:$0x7D9] =	sst s0;
	s0 =	simm.s32 @!p5 $0x0  }
0x140: {  	s16 =	sld [smem:$0x7D3];
	s0 =	simm.s32 @p5 $0x1  }
0x141: {  	p2 =	por p5, p5;
	[smem:$0x7DA] =	sst s0;
	s0 =	simm.s32 @!p5 $0x0  }
0x142: {  	s0 =	simm.s32 @p5 $0x1;
	p5 =	por @!p6 p1, p1;
	p1 =	seq.s32 s15, $0x1  }
0x143: {  	p1 =	por @!p6 p0, p0  }
0x144: {  	p3 =	seq.s32 s16, $0x1;
	[smem:$0x7DB] =	sst s0;
	s0 =	simm.s32 @!p1 $0x0  }
0x145: {  	s20 =	sld [smem:$0x7D5];
	p3 =	por @!p6 p0, p0;
	s0 =	simm.s32 @p1 $0x1  }
0x146: {  	[smem:$0x7D1] =	sst s0;
	s0 =	simm.s32 @!p3 $0x0  }
0x147: {  	p2 =	por @!p6 p0, p0;
	s24 =	sld [smem:$0x7D6];
	s0 =	simm.s32 @p3 $0x1  }
0x148: {  	[smem:$0x7D3] =	sst s0;
	s0 =	simm.s32 @!p2 $0x0  }
0x149: {  	s0 =	simm.s32 @p2 $0x1;
	p2 =	seq.s32 s20, $0x1  }
0x14a: {  	s25 =	sld [smem:$0x7D7];
	p2 =	por @!p6 p0, p0  }
0x14b: {  	p1 =	seq.s32 s24, $0x1;
	[smem:$0x7D4] =	sst s0;
	s0 =	simm.s32 @!p2 $0x0  }
0x14c: {  	p1 =	por @!p6 p0, p0;
	s0 =	simm.s32 @p2 $0x1  }
0x14d: {  	[smem:$0x7D5] =	sst s0;
	s0 =	simm.s32 @!p1 $0x0  }
0x14e: {  	s26 =	sld [smem:$0x7D8];
	s0 =	simm.s32 @p1 $0x1;
	p1 =	seq.s32 s25, $0x1  }
0x14f: {  	p1 =	por @!p6 p0, p0  }
0x150: {  	[smem:$0x7D6] =	sst s0;
	s0 =	simm.s32 @!p1 $0x0  }
0x151: {  	s28 =	sld [smem:$0x7D9];
	s0 =	simm.s32 @p1 $0x1;
	p1 =	seq.s32 s26, $0x1  }
0x152: {  	p1 =	por @!p6 p0, p0  }
0x153: {  	[smem:$0x7D7] =	sst s0;
	s0 =	simm.s32 @!p1 $0x0  }
0x154: {  	s29 =	sld [smem:$0x7DA];
	s0 =	simm.s32 @p1 $0x1;
	p1 =	seq.s32 s28, $0x1  }
0x155: {  	p1 =	por @!p6 p0, p0  }
0x156: {  	[smem:$0x7D8] =	sst s0;
	s0 =	simm.s32 @!p1 $0x0  }
0x157: {  	s31 =	sld [smem:$0x7DB];
	s0 =	simm.s32 @p1 $0x1;
	p1 =	seq.s32 s29, $0x1  }
0x158: {  	s18 =	sld [smem:$0x7CD];
	p1 =	por @!p6 p0, p0  }
0x159: {  	[smem:$0x7D9] =	sst s0;
	s0 =	simm.s32 @!p1 $0x0  }
0x15a: {  	s22 =	sld [smem:$0x7CE];
	s0 =	simm.s32 @p1 $0x1;
	p1 =	seq.s32 s31, $0x1  }
0x15b: {  	p1 =	por @!p6 p0, p0  }
0x15c: {  	p4 =	por @!p6 p0, p0;
	[smem:$0x7DA] =	sst s0;
	s0 =	simm.s32 @!p1 $0x0  }
0x15d: {  	p3 =	seq.s32 s18, $0x1;
	p2 =	seq.s32 s22, $0x1;
	s0 =	simm.s32 @p1 $0x1  }
0x15e: {  	p3 =	por @!p6 p0, p0;
	p2 =	por @!p6 p0, p0;
	[smem:$0x7DB] =	sst s0  }
.LBB2_8:
0x15f: {  	s0 =	rddreg [dreg:$0x7]  }
0x160: {  	s13 =	rddreg [dreg:$0x8]  }
0x161: {  	[tilespmem:s4], [sflag:$0x1] =	stream.linear.gather [hbm4b:s0+s4], $0x40, $0x38;
	[tilespmem:$0x1FB80] =	vst v63  }
0x162: {  	s9 =	simm.s32 $0x80;
	s14 =	rddreg [dreg:$0x9]  }
0x163: {  	[tilespmem:s9], [sflag:$0x2] =	stream.linear.gather [hbm4b:s13+s4], $0x40, $0x38;
	[tilespmem:$0x1FB80] =	vst v63  }
0x164: {  	s11 =	simm.s32 $0x100;
	s15 =	rddreg [dreg:$0xa]  }
0x165: {  	[tilespmem:s11], [sflag:$0x3] =	stream.linear.gather [hbm4b:s14+s4], $0x40, $0x38;
	[tilespmem:$0x1FB80] =	vst v63  }
0x166: {  	s16 =	rddreg [dreg:$0xb];
	s13 =	simm.s32 $0x180  }
0x167: {  	[tilespmem:s13], [sflag:$0x4] =	stream.linear.gather [hbm4b:s15+s4], $0x40, $0x38;
	[tilespmem:$0x1FB80] =	vst v63  }
0x168: {  	s18 =	sld [smem:$0x7F8];
	p0 =	sne.s32 s19, $0x0;
	s14 =	simm.s32 $0x200  }
0x169: {  	[tilespmem:s14], [sflag:$0x5] =	stream.linear.gather [hbm4b:s16+s4], $0x40, $0x38;
	[tilespmem:$0x1FB80] =	vst v63  }
0x16a: {  	s2 =	simm.s32 @!p0 $0x13;
	s15 =	simm.s32 $0x280  }
0x16b: {  	[tilespmem:s15], [sflag:$0x6] =	stream.linear.gather [hbm4b:s18+s4], $0x40, $0x38;
	[tilespmem:$0x1FB80] =	vst v63  }
0x16c: {  	s0 =	simm.s32 @!p0 $0x0;
	_ =	swait.ge @!p0 [sflag:s2], $0x2780  }
0x16d: {  	s0 =	simm.s32 @p0 $0x1;
	[sflag:s2] =	ssyncset.done @!p0 $0x0  }
0x16e: {  	[smem:$0x7CA] =	sst s0;
	[sflag:s2] =	ssyncadd.s32 @!p0 $0xFFFFD880;
	s2 =	simm.s32 @p3 $0x13  }
0x16f: {  	_ =	swait.ge @p3 [sflag:s2], $0x2780  }
0x170: {  	[sflag:s2] =	ssyncset.done @p3 $0x0  }
0x171: {  	[sflag:s2] =	ssyncadd.s32 @p3 $0xFFFFD880;
	s2 =	simm.s32 @p2 $0x13  }
0x172: {  	_ =	swait.ge @p2 [sflag:s2], $0x2780  }
0x173: {  	s20 =	sld [smem:$0x7D7];
	_ =	sdelay $0x2  }
0x174: {  	[sflag:s2] =	ssyncset.done @p2 $0x0;
	p0 =	seq.s32 s20, $0x1  }
0x175: {  	[sflag:s2] =	ssyncadd.s32 @p2 $0xFFFFD880;
	s2 =	simm.s32 @p0 $0x13  }
0x176: {  	_ =	swait.ge @p0 [sflag:s2], $0x2780  }
0x177: {  	s22 =	sld [smem:$0x7D8];
	_ =	sdelay $0x1  }
0x178: {  	[sflag:s2] =	ssyncset.done @p0 $0x0  }
0x179: {  	[sflag:s2] =	ssyncadd.s32 @p0 $0xFFFFD880;
	p0 =	seq.s32 s22, $0x1  }
0x17a: {  	s2 =	simm.s32 @p0 $0x13  }
0x17b: {  	_ =	swait.ge @p0 [sflag:s2], $0x2780  }
0x17c: {  	s24 =	sld [smem:$0x7D6];
	_ =	sdelay $0x1  }
0x17d: {  	[sflag:s2] =	ssyncset.done @p0 $0x0  }
0x17e: {  	[sflag:s2] =	ssyncadd.s32 @p0 $0xFFFFD880;
	p0 =	seq.s32 s24, $0x1  }
0x17f: {  	s2 =	simm.s32 @p0 $0x13  }
0x180: {  	_ =	swait.ge @p0 [sflag:s2], $0x2780  }
0x181: {  	s25 =	sld [smem:$0x7D9];
	_ =	sdelay $0x1  }
0x182: {  	[sflag:s2] =	ssyncset.done @p0 $0x0  }
0x183: {  	[sflag:s2] =	ssyncadd.s32 @p0 $0xFFFFD880;
	p0 =	seq.s32 s25, $0x1  }
0x184: {  	s2 =	simm.s32 @p0 $0x13  }
0x185: {  	_ =	swait.ge @p0 [sflag:s2], $0x2780  }
0x186: {  	s26 =	sld [smem:$0x7D5];
	_ =	sdelay $0x1  }
0x187: {  	[sflag:s2] =	ssyncset.done @p0 $0x0  }
0x188: {  	[sflag:s2] =	ssyncadd.s32 @p0 $0xFFFFD880;
	p0 =	seq.s32 s26, $0x1  }
0x189: {  	s2 =	simm.s32 @p0 $0x13  }
0x18a: {  	_ =	swait.ge @p0 [sflag:s2], $0x2780  }
0x18b: {  	s28 =	sld [smem:$0x7DA];
	_ =	sdelay $0x1  }
0x18c: {  	[sflag:s2] =	ssyncset.done @p0 $0x0  }
0x18d: {  	[sflag:s2] =	ssyncadd.s32 @p0 $0xFFFFD880;
	p0 =	seq.s32 s28, $0x1  }
0x18e: {  	s2 =	simm.s32 @p0 $0x13  }
0x18f: {  	_ =	swait.ge @p0 [sflag:s2], $0x2780  }
0x190: {  	s29 =	sld [smem:$0x7D4];
	_ =	sdelay $0x1  }
0x191: {  	[sflag:s2] =	ssyncset.done @p0 $0x0  }
0x192: {  	[sflag:s2] =	ssyncadd.s32 @p0 $0xFFFFD880;
	p0 =	seq.s32 s29, $0x1  }
0x193: {  	s2 =	simm.s32 @p0 $0x13  }
0x194: {  	_ =	swait.ge @p0 [sflag:s2], $0x2780  }
0x195: {  	s31 =	sld [smem:$0x7DB];
	_ =	sdelay $0x1  }
0x196: {  	[sflag:s2] =	ssyncset.done @p0 $0x0  }
0x197: {  	[sflag:s2] =	ssyncadd.s32 @p0 $0xFFFFD880;
	p0 =	seq.s32 s31, $0x1  }
0x198: {  	s2 =	simm.s32 @p0 $0x13  }
0x199: {  	_ =	swait.ge @p0 [sflag:s2], $0x2780  }
0x19a: {  	[sflag:s2] =	ssyncset.done @p0 $0x0  }
0x19b: {  	[sflag:s2] =	ssyncadd.s32 @p0 $0xFFFFD880;
	s2 =	sld [smem:$0x7D3];
	_ =	sdelay $0x2  }
0x19c: {  	p0 =	seq.s32 s2, $0x1  }
0x19d: {  	s2 =	simm.s32 @p0 $0x13  }
0x19e: {  	_ =	swait.ge @p0 [sflag:s2], $0x2780  }
0x19f: {  	[sflag:s2] =	ssyncset.done @p0 $0x0  }
0x1a0: {  	[sflag:s2] =	ssyncadd.s32 @p0 $0xFFFFD880;
	s2 =	simm.s32 @p5 $0x13  }
0x1a1: {  	_ =	swait.ge @p5 [sflag:s2], $0x2780  }
0x1a2: {  	s16 =	sld [smem:$0x7D2];
	_ =	sdelay $0x2  }
0x1a3: {  	[sflag:s2] =	ssyncset.done @p5 $0x0;
	p0 =	seq.s32 s16, $0x1  }
0x1a4: {  	[sflag:s2] =	ssyncadd.s32 @p5 $0xFFFFD880;
	s2 =	simm.s32 @p0 $0x13  }
0x1a5: {  	_ =	swait.ge @p0 [sflag:s2], $0x2780  }
0x1a6: {  	[sflag:s2] =	ssyncset.done @p0 $0x0  }
0x1a7: {  	[sflag:s2] =	ssyncadd.s32 @p0 $0xFFFFD880;
	s2 =	simm.s32 @p4 $0x13  }
0x1a8: {  	_ =	swait.ge @p4 [sflag:s2], $0x2780  }
0x1a9: {  	s18 =	sld [smem:$0x7D1];
	_ =	sdelay $0x2  }
0x1aa: {  	[sflag:s2] =	ssyncset.done @p4 $0x0;
	p0 =	seq.s32 s18, $0x1  }
0x1ab: {  	[sflag:s2] =	ssyncadd.s32 @p4 $0xFFFFD880;
	s2 =	simm.s32 @p0 $0x13  }
0x1ac: {  	_ =	swait.ge @p0 [sflag:s2], $0x2080  }
0x1ad: {  	[sflag:s2] =	ssyncset.done @p0 $0x0  }
0x1ae: {  	[sflag:s2] =	ssyncadd.s32 @p0 $0xFFFFDF80  }
0x1af: {  	s19 =	simm.s32 $0x1;
	[bflag:$0x0] =	sbarrier.arrive $0xFFFF  }
0x1b0: {  	_ =	swait.ge [sflag:s19], $0x40  }
0x1b1: {  	s20 =	simm.s32 $0x2;
	[sflag:s19] =	ssyncset.done $0x0  }
0x1b2: {  	s16 =	simm.s32 $0x300;
	s2 =	simm.s32 $0x0;
	[sflag:s19] =	ssyncadd.s32 $0xFFFFFFC0  }
0x1b3: {  	[tilespmem:s16], [sflag:$0x7] =	stream.indirect.gather [spmem:s3], $0x80, s2, s1, $0xb8;
	[tilespmem:$0x1FB80] =	vst v63  }
0x1b4: {  	_ =	swait.ge [sflag:s20], $0x40  }
0x1b5: {  	[sflag:s20] =	ssyncset.done $0x0  }
0x1b6: {  	s22 =	simm.s32 $0x7;
	s18 =	simm.s32 $0x2300;
	[sflag:s20] =	ssyncadd.s32 $0xFFFFFFC0  }
0x1b7: {  	[tilespmem:s18], [sflag:$0x8] =	stream.indirect.gather [spmem:s3], $0x80, s9, s1, $0xb8;
	[tilespmem:$0x1FB80] =	vst v63  }
0x1b8: {  	_ =	swait.ge [sflag:s22], $0x2000  }
0x1b9: {  	[sflag:s22] =	ssyncset.done $0x0;
	s24 =	rddreg [dreg:$0xc]  }
0x1ba: {  	s25 =	sld [smem:$0x7F9];
	[sflag:s22] =	ssyncadd.s32 $0xFFFFE000  }
0x1bb: {  	[hbm4b:s24+s2] =	stream.linear.scatter [tilespmem:s16], [sflag:$0xD], $0x2000, $0x38;
	[tilespmem:$0x1FB80] =	vst v63  }
0x1bc: {  	s26 =	simm.s32 $0x3  }
0x1bd: {  	[tilespmem:s2], [sflag:$0x1] =	stream.linear.gather [hbm4b:s25+s2], $0x40, $0x38;
	[tilespmem:$0x1FB80] =	vst v63  }
0x1be: {  	_ =	swait.ge [sflag:s26], $0x40  }
0x1bf: {  	[sflag:s26] =	ssyncset.done $0x0  }
0x1c0: {  	s28 =	simm.s32 $0x4300;
	s29 =	simm.s32 $0x8;
	[sflag:s26] =	ssyncadd.s32 $0xFFFFFFC0  }
0x1c1: {  	[tilespmem:s28], [sflag:$0x9] =	stream.indirect.gather [spmem:s3], $0x80, s11, s1, $0xb8;
	[tilespmem:$0x1FB80] =	vst v63  }
0x1c2: {  	_ =	swait.ge [sflag:s29], $0x2000  }
0x1c3: {  	[sflag:s29] =	ssyncset.done $0x0  }
0x1c4: {  	s31 =	rddreg [dreg:$0xd];
	[sflag:s29] =	ssyncadd.s32 $0xFFFFE000  }
0x1c5: {  	[hbm4b:s31+s2] =	stream.linear.scatter [tilespmem:s18], [sflag:$0xE], $0x2000, $0x38;
	[tilespmem:$0x1FB80] =	vst v63  }
0x1c6: {  	s18 =	sld [smem:$0x7FA];
	_ =	sdelay $0x1  }
0x1c7: {  	s19 =	simm.s32 $0x4  }
0x1c8: {  	[tilespmem:s9], [sflag:$0x2] =	stream.linear.gather [hbm4b:s18+s2], $0x40, $0x38;
	[tilespmem:$0x1FB80] =	vst v63  }
0x1c9: {  	_ =	swait.ge [sflag:s19], $0x40  }
0x1ca: {  	[sflag:s19] =	ssyncset.done $0x0  }
0x1cb: {  	s20 =	simm.s32 $0x6300;
	s22 =	simm.s32 $0x9;
	[sflag:s19] =	ssyncadd.s32 $0xFFFFFFC0  }
0x1cc: {  	[tilespmem:s20], [sflag:$0xA] =	stream.indirect.gather [spmem:s3], $0x80, s13, s1, $0xb8;
	[tilespmem:$0x1FB80] =	vst v63  }
0x1cd: {  	_ =	swait.ge [sflag:s22], $0x2000  }
0x1ce: {  	[sflag:s22] =	ssyncset.done $0x0;
	s24 =	rddreg [dreg:$0xe]  }
0x1cf: {  	s25 =	sld [smem:$0x7FB];
	[sflag:s22] =	ssyncadd.s32 $0xFFFFE000  }
0x1d0: {  	[hbm4b:s24+s2] =	stream.linear.scatter [tilespmem:s28], [sflag:$0xF], $0x2000, $0x38;
	[tilespmem:$0x1FB80] =	vst v63  }
0x1d1: {  	s26 =	simm.s32 $0x5  }
0x1d2: {  	[tilespmem:s11], [sflag:$0x3] =	stream.linear.gather [hbm4b:s25+s2], $0x40, $0x38;
	[tilespmem:$0x1FB80] =	vst v63  }
0x1d3: {  	_ =	swait.ge [sflag:s26], $0x40  }
0x1d4: {  	[sflag:s26] =	ssyncset.done $0x0  }
0x1d5: {  	s29 =	simm.s32 $0xA;
	s28 =	simm.s32 $0x8300;
	[sflag:s26] =	ssyncadd.s32 $0xFFFFFFC0  }
0x1d6: {  	[tilespmem:s28], [sflag:$0xB] =	stream.indirect.gather [spmem:s3], $0x80, s14, s1, $0xb8;
	[tilespmem:$0x1FB80] =	vst v63  }
0x1d7: {  	_ =	swait.ge [sflag:s29], $0x2000  }
0x1d8: {  	[sflag:s29] =	ssyncset.done $0x0;
	s31 =	rddreg [dreg:$0xf]  }
0x1d9: {  	s9 =	sld [smem:$0x7FC];
	[sflag:s29] =	ssyncadd.s32 $0xFFFFE000  }
0x1da: {  	[hbm4b:s31+s2] =	stream.linear.scatter [tilespmem:s20], [sflag:$0x10], $0x2000, $0x38;
	[tilespmem:$0x1FB80] =	vst v63  }
0x1db: {  	_ = 	snop  }
0x1dc: {  	[tilespmem:s13], [sflag:$0x4] =	stream.linear.gather [hbm4b:s9+s2], $0x40, $0x38;
	[tilespmem:$0x1FB80] =	vst v63  }
0x1dd: {  	s13 =	simm.s32 $0x6  }
0x1de: {  	_ =	swait.ge [sflag:s13], $0x40  }
0x1df: {  	[sflag:s13] =	ssyncset.done $0x0  }
0x1e0: {  	s16 =	simm.s32 $0xB;
	[sflag:s13] =	ssyncadd.s32 $0xFFFFFFC0  }
0x1e1: {  	[tilespmem:s10], [sflag:$0xC] =	stream.indirect.gather [spmem:s3], $0x80, s15, s1, $0xb8;
	[tilespmem:$0x1FB80] =	vst v63  }
0x1e2: {  	_ =	swait.ge [sflag:s16], $0x2000  }
0x1e3: {  	[sflag:s16] =	ssyncset.done $0x0;
	s18 =	rddreg [dreg:$0x10]  }
0x1e4: {  	s20 =	sadd.s32 $0xC0, s6;
	s19 =	sld [smem:$0x7FD];
	[sflag:s16] =	ssyncadd.s32 $0xFFFFE000  }
0x1e5: {  	[hbm4b:s18+s2] =	stream.linear.scatter [tilespmem:s28], [sflag:$0x11], $0x2000, $0x38;
	[tilespmem:$0x1FB80] =	vst v63  }
0x1e6: {  	p1 =	sgt.u32 s20, $0x1387  }
0x1e7: {  	[tilespmem:s14], [sflag:$0x5] =	stream.linear.gather [hbm4b:s19+s2], $0x40, $0x38;
	[tilespmem:$0x1FB80] =	vst v63  }
0x1e8: {  	s2 =	simm.s32 @!p1 $0xD  }
0x1e9: {  	_ =	swait.ge @!p1 [sflag:s2], $0x2000  }
0x1ea: {  	[sflag:s2] =	ssyncset.done @!p1 $0x0  }
0x1eb: {  	s9 =	simm.s32 @!p1 $0x1;
	[sflag:s2] =	ssyncadd.s32 @!p1 $0xFFFFE000  }
0x1ec: {  	s22 =	sadd.s32 $0x0, s6;
	_ =	swait.ge @!p1 [sflag:s9], $0x40  }
0x1ed: {  	s25 =	sadd.s32 $0xE0, s22;
	s11 =	simm.s32 @!p1 $0x0;
	[sflag:s9] =	ssyncset.done @!p1 $0x0  }
0x1ee: {  	s13 =	simm.s32 @!p1 $0x300;
	s2 =	simm.s32 @!p1 $0x40;
	[sflag:s9] =	ssyncadd.s32 @!p1 $0xFFFFFFC0  }
0x1ef: {  	[tilespmem:s13], [sflag:$0x7] =	stream.indirect.gather @!p1 [spmem:s3], $0x80, s11, s2, $0xb8;
	[tilespmem:$0x1FB80] =	vst v63  }
0x1f0: {  	p0 =	sgt.u32 s25, $0x1387;
	_ =	swait.ge [sflag:s30], $0x2000  }
0x1f1: {  	s26 =	sadd.s32 $0x160, s22;
	s24 =	rddreg [dreg:$0x5];
	[sflag:s30] =	ssyncset.done $0x0  }
0x1f2: {  	p2 =	sgt.u32 s26, $0x1387;
	[sflag:s30] =	ssyncadd.s32 $0xFFFFE000;
	s9 =	sadd.s32 s21, s24  }
0x1f3: {  	[hbm4b:s9+s4] =	stream.linear.scatter [tilespmem:s10], [sflag:$0x12], $0x2000, $0x38;
	[tilespmem:$0x1FB80] =	vst v63  }
0x1f4: {  	s15 =	simm.s32 @!p2 $0x0;
	s16 =	simm.s32 @!p2 $0x280;
	s9 =	sadd.s32 @!p2 $0xFFFFFB00, s23  }
0x1f5: {  	[tilespmem:s16], [sflag:$0x6] =	stream.linear.gather @!p2 [hbm4b:s9+s15], $0x40, $0x38;
	[tilespmem:$0x1FB80] =	vst v63  }
0x1f6: {  	s9 =	simm.s32 @!p0 $0xE  }
0x1f7: {  	_ =	swait.ge @!p0 [sflag:s9], $0x2000  }
0x1f8: {  	[sflag:s9] =	ssyncset.done @!p0 $0x0  }
0x1f9: {  	[sflag:s9] =	ssyncadd.s32 @!p0 $0xFFFFE000;
	s9 =	simm.s32 @!p0 $0x2  }
0x1fa: {  	_ =	swait.ge @!p0 [sflag:s9], $0x40  }
0x1fb: {  	s15 =	simm.s32 @!p0 $0x40;
	[sflag:s9] =	ssyncset.done @!p0 $0x0  }
0x1fc: {  	s16 =	simm.s32 @!p0 $0x80;
	[sflag:s9] =	ssyncadd.s32 @!p0 $0xFFFFFFC0;
	s9 =	simm.s32 @!p0 $0x2300  }
0x1fd: {  	[tilespmem:s9], [sflag:$0x8] =	stream.indirect.gather @!p0 [spmem:s3], $0x80, s16, s15, $0xb8;
	[tilespmem:$0x1FB80] =	vst v63  }
0x1fe: {  	s15 =	sadd.s32 @!p1 $0x0, s6;
	s16 =	simm.s32 @!p1 $0x7  }
0x1ff: {  	s15 =	sadd.s32 @!p1 $0x180, s15;
	_ =	swait.ge @!p1 [sflag:s16], $0x2000  }
0x200: {  	p2 =	sgt.u32 @!p1 s15, $0x1387;
	s15 =	sadd.s32 @!p1 s21, s12;
	[sflag:s16] =	ssyncset.done @!p1 $0x0  }
0x201: {  	s28 =	sadd.s32 $0x100, s22;
	s15 =	sadd.s32 @!p1 $0x30000, s15;
	[sflag:s16] =	ssyncadd.s32 @!p1 $0xFFFFE000  }
0x202: {  	[hbm4b:s15+s11] =	stream.linear.scatter @!p1 [tilespmem:s13], [sflag:$0xD], $0x2000, $0x38;
	[tilespmem:$0x1FB80] =	vst v63  }
0x203: {  	p2 =	por p2, p1;
	p1 =	sgt.u32 s28, $0x1387  }
0x204: {  	s11 =	simm.s32 @!p2 $0x0;
	s13 =	sadd.s32 @!p2 $0xFFFFFC00, s23;
	s15 =	simm.s32 @!p1 $0xF  }
0x205: {  	[tilespmem:s11], [sflag:$0x1] =	stream.linear.gather @!p2 [hbm4b:s13+s11], $0x40, $0x38;
	[tilespmem:$0x1FB80] =	vst v63  }
0x206: {  	_ =	swait.ge @!p1 [sflag:s15], $0x2000  }
0x207: {  	[sflag:s15] =	ssyncset.done @!p1 $0x0  }
0x208: {  	s11 =	simm.s32 @!p1 $0x3;
	[sflag:s15] =	ssyncadd.s32 @!p1 $0xFFFFE000  }
0x209: {  	_ =	swait.ge @!p1 [sflag:s11], $0x40  }
0x20a: {  	s16 =	simm.s32 @!p1 $0x4300;
	s13 =	sadd.s32 @!p0 $0x0, s6;
	[sflag:s11] =	ssyncset.done @!p1 $0x0  }
0x20b: {  	s15 =	simm.s32 @!p1 $0x100;
	[sflag:s11] =	ssyncadd.s32 @!p1 $0xFFFFFFC0;
	s11 =	simm.s32 @!p1 $0x40  }
0x20c: {  	[tilespmem:s16], [sflag:$0x9] =	stream.indirect.gather @!p1 [spmem:s3], $0x80, s15, s11, $0xb8;
	[tilespmem:$0x1FB80] =	vst v63  }
0x20d: {  	s11 =	sadd.s32 @!p0 $0x1A0, s13;
	s13 =	simm.s32 @!p0 $0x8  }
0x20e: {  	s29 =	sadd.s32 $0x120, s22;
	s15 =	sadd.s32 @!p0 s21, s12;
	_ =	swait.ge @!p0 [sflag:s13], $0x2000  }
0x20f: {  	p2 =	sgt.u32 @!p0 s11, $0x1387;
	s15 =	sadd.s32 @!p0 $0x38000, s15;
	[sflag:s13] =	ssyncset.done @!p0 $0x0  }
0x210: {  	p2 =	por p2, p0;
	[sflag:s13] =	ssyncadd.s32 @!p0 $0xFFFFE000;
	s13 =	simm.s32 @!p0 $0x0  }
0x211: {  	[hbm4b:s15+s13] =	stream.linear.scatter @!p0 [tilespmem:s9], [sflag:$0xE], $0x2000, $0x38;
	[tilespmem:$0x1FB80] =	vst v63  }
0x212: {  	s11 =	sadd.s32 @!p2 $0xFFFFFD00, s23;
	p0 =	sgt.u32 s29, $0x1387  }
0x213: {  	s9 =	simm.s32 @!p2 $0x80;
	s13 =	simm.s32 @!p2 $0x0;
	s15 =	simm.s32 @!p0 $0x10  }
0x214: {  	[tilespmem:s9], [sflag:$0x2] =	stream.linear.gather @!p2 [hbm4b:s11+s13], $0x40, $0x38;
	[tilespmem:$0x1FB80] =	vst v63  }
0x215: {  	_ =	swait.ge @!p0 [sflag:s15], $0x2000  }
0x216: {  	[sflag:s15] =	ssyncset.done @!p0 $0x0  }
0x217: {  	s9 =	simm.s32 @!p0 $0x4;
	[sflag:s15] =	ssyncadd.s32 @!p0 $0xFFFFE000  }
0x218: {  	_ =	swait.ge @!p0 [sflag:s9], $0x40  }
0x219: {  	s11 =	simm.s32 @!p0 $0x6300;
	[sflag:s9] =	ssyncset.done @!p0 $0x0  }
0x21a: {  	s13 =	simm.s32 @!p0 $0x40;
	s15 =	simm.s32 @!p0 $0x180;
	[sflag:s9] =	ssyncadd.s32 @!p0 $0xFFFFFFC0  }
0x21b: {  	[tilespmem:s11], [sflag:$0xA] =	stream.indirect.gather @!p0 [spmem:s3], $0x80, s15, s13, $0xb8;
	[tilespmem:$0x1FB80] =	vst v63  }
0x21c: {  	s2 =	sadd.s32 $0x140, s22;
	s9 =	sadd.s32 @!p1 $0x0, s6;
	s13 =	simm.s32 @!p1 $0x9  }
0x21d: {  	s15 =	sadd.s32 @!p1 s21, s12;
	s9 =	sadd.s32 @!p1 $0x1C0, s9;
	_ =	swait.ge @!p1 [sflag:s13], $0x2000  }
0x21e: {  	s15 =	sadd.s32 @!p1 $0x40000, s15;
	p2 =	sgt.u32 @!p1 s9, $0x1387;
	[sflag:s13] =	ssyncset.done @!p1 $0x0  }
0x21f: {  	s9 =	simm.s32 @!p1 $0x0;
	p2 =	por p2, p1;
	[sflag:s13] =	ssyncadd.s32 @!p1 $0xFFFFE000  }
0x220: {  	[hbm4b:s15+s9] =	stream.linear.scatter @!p1 [tilespmem:s16], [sflag:$0xF], $0x2000, $0x38;
	[tilespmem:$0x1FB80] =	vst v63  }
0x221: {  	s13 =	simm.s32 @!p2 $0x0;
	p1 =	sgt.u32 s2, $0x1387  }
0x222: {  	s9 =	simm.s32 @!p2 $0x100;
	s2 =	sadd.s32 @!p2 $0xFFFFFE00, s23;
	s15 =	simm.s32 @!p1 $0x11  }
0x223: {  	[tilespmem:s9], [sflag:$0x3] =	stream.linear.gather @!p2 [hbm4b:s2+s13], $0x40, $0x38;
	[tilespmem:$0x1FB80] =	vst v63  }
0x224: {  	_ =	swait.ge @!p1 [sflag:s15], $0x2000  }
0x225: {  	s20 =	simm.s32 $0xC0;
	[sflag:s15] =	ssyncset.done @!p1 $0x0  }
0x226: {  	s19 =	smov.u32 s23;
	s2 =	simm.s32 @!p1 $0x5;
	[sflag:s15] =	ssyncadd.s32 @!p1 $0xFFFFE000  }
0x227: {  	s22 =	smov.u32 s23;
	s16 =	simm.s32 @!p1 $0x200;
	_ =	swait.ge @!p1 [sflag:s2], $0x40  }
0x228: {  	s13 =	sadd.s32 @!p0 $0x0, s6;
	s9 =	simm.s32 @!p1 $0x8300;
	[sflag:s2] =	ssyncset.done @!p1 $0x0  }
0x229: {  	s15 =	sadd.s32 @!p0 s21, s12;
	[sflag:s2] =	ssyncadd.s32 @!p1 $0xFFFFFFC0;
	s2 =	simm.s32 @!p1 $0x40  }
0x22a: {  	[tilespmem:s9], [sflag:$0xB] =	stream.indirect.gather @!p1 [spmem:s3], $0x80, s16, s2, $0xb8;
	[tilespmem:$0x1FB80] =	vst v63  }
0x22b: {  	s2 =	sadd.s32 @!p0 $0x1E0, s13;
	s13 =	sadd.s32 @!p0 $0x48000, s15;
	s15 =	simm.s32 @!p0 $0xA  }
0x22c: {  	p2 =	sgt.u32 @!p0 s2, $0x1387;
	s2 =	sadd.s32 @!p1 $0x0, s6;
	_ =	swait.ge @!p0 [sflag:s15], $0x2000  }
0x22d: {  	p2 =	por p2, p0;
	s2 =	sadd.s32 @!p1 $0x200, s2;
	[sflag:s15] =	ssyncset.done @!p0 $0x0  }
0x22e: {  	s31 =	rddreg [dreg:$0x6];
	[sflag:s15] =	ssyncadd.s32 @!p0 $0xFFFFE000;
	s15 =	simm.s32 @!p0 $0x0  }
0x22f: {  	[hbm4b:s13+s15] =	stream.linear.scatter @!p0 [tilespmem:s11], [sflag:$0x10], $0x2000, $0x38;
	[tilespmem:$0x1FB80] =	vst v63  }
0x230: {  	s11 =	simm.s32 @!p2 $0x180;
	s13 =	sadd.s32 @!p2 $0xFFFFFF00, s23;
	s15 =	simm.s32 @!p2 $0x0  }
0x231: {  	[tilespmem:s11], [sflag:$0x4] =	stream.linear.gather @!p2 [hbm4b:s13+s15], $0x40, $0x38;
	[tilespmem:$0x1FB80] =	vst v63  }
0x232: {  	p4 =	sle.u32 s31, $0xC0;
	p0 =	sgt.u32 @!p1 s2, $0x1387;
	s11 =	sadd.s32 @!p1 s21, s12  }
0x233: {  	s2 =	smov.u32 s21;
	p2 =	por p0, p1;
	s13 =	sadd.s32 @!p1 $0x50000, s11  }
.LBB2_9:
0x234: {  	s11 =	simm.s32 @!p4 $0x12  }
0x235: {  	_ =	swait.ge @!p4 [sflag:s11], $0x2000  }
0x236: {  	s15 =	simm.s32 @!p4 $0x6;
	[sflag:s11] =	ssyncset.done @!p4 $0x0  }
0x237: {  	s25 =	smov.u32 s20;
	s20 =	sadd.s32 $0xC0, s20;
	[sflag:s11] =	ssyncadd.s32 @!p4 $0xFFFFE000  }
0x238: {  	s16 =	simm.s32 @!p4 $0xA300;
	s24 =	simm.s32 @!p4 $0x280;
	_ =	swait.ge @!p4 [sflag:s15], $0x40  }
0x239: {  	s26 =	simm.s32 @!p1 $0xB;
	s18 =	sadd.s32 s6, s20;
	[sflag:s15] =	ssyncset.done @!p4 $0x0  }
0x23a: {  	p0 =	sgt.u32 s18, $0x1387;
	s18 =	simm.s32 @!p4 $0x40;
	[sflag:s15] =	ssyncadd.s32 @!p4 $0xFFFFFFC0  }
0x23b: {  	[tilespmem:s16], [sflag:$0xC] =	stream.indirect.gather @!p4 [spmem:s3], $0x80, s24, s18, $0xb8;
	[tilespmem:$0x1FB80] =	vst v63  }
0x23c: {  	_ =	swait.ge @!p1 [sflag:s26], $0x2000  }
0x23d: {  	[sflag:s26] =	ssyncset.done @!p1 $0x0  }
0x23e: {  	s28 =	simm.s32 @!p1 $0x0;
	[sflag:s26] =	ssyncadd.s32 @!p1 $0xFFFFE000  }
0x23f: {  	[hbm4b:s13+s28] =	stream.linear.scatter @!p1 [tilespmem:s9], [sflag:$0x11], $0x2000, $0x38;
	[tilespmem:$0x1FB80] =	vst v63  }
0x240: {  	s15 =	simm.s32 @!p2 $0x200;
	s16 =	simm.s32 @!p2 $0x0;
	s9 =	simm.s32 @!p0 $0xD  }
0x241: {  	[tilespmem:s15], [sflag:$0x5] =	stream.linear.gather @!p2 [hbm4b:s22+s16], $0x40, $0x38;
	[tilespmem:$0x1FB80] =	vst v63  }
0x242: {  	s2 =	sadd.s32 $0x30000, s2;
	_ =	swait.ge @!p0 [sflag:s9], $0x2000  }
0x243: {  	s19 =	sadd.s32 $0x600, s19;
	s29 =	sadd.s32 @!p0 s25, s6;
	[sflag:s9] =	ssyncset.done @!p0 $0x0  }
0x244: {  	s24 =	sadd.s32 s25, s6;
	s22 =	simm.s32 @!p0 $0x1;
	[sflag:s9] =	ssyncadd.s32 @!p0 $0xFFFFE000  }
0x245: {  	s29 =	sadd.s32 @!p0 $0x180, s29;
	s0 =	sadd.s32 $0x160, s24;
	_ =	swait.ge @!p0 [sflag:s22], $0x40  }
0x246: {  	s18 =	simm.s32 @!p0 $0x300;
	p4 =	sgt.u32 s0, $0x1387;
	[sflag:s22] =	ssyncset.done @!p0 $0x0  }
0x247: {  	s15 =	simm.s32 @!p0 $0x40;
	s16 =	simm.s32 @!p0 $0x0;
	[sflag:s22] =	ssyncadd.s32 @!p0 $0xFFFFFFC0  }
0x248: {  	[tilespmem:s18], [sflag:$0x7] =	stream.indirect.gather @!p0 [spmem:s3], $0x80, s16, s15, $0xb8;
	[tilespmem:$0x1FB80] =	vst v63  }
0x249: {  	p3 =	sgt.u32 @!p0 s29, $0x1387;
	s26 =	sadd.s32 @!p4 $0xFFFFFB00, s19;
	_ =	swait.ge [sflag:s30], $0x2000  }
0x24a: {  	s13 =	sadd.s32 $0xE0, s24;
	s14 =	rddreg [dreg:$0x5];
	[sflag:s30] =	ssyncset.done $0x0  }
0x24b: {  	p1 =	sgt.u32 s13, $0x1387;
	[sflag:s30] =	ssyncadd.s32 $0xFFFFE000;
	s28 =	sadd.s32 s2, s14  }
0x24c: {  	[hbm4b:s28+s4] =	stream.linear.scatter [tilespmem:s10], [sflag:$0x12], $0x2000, $0x38;
	[tilespmem:$0x1FB80] =	vst v63  }
0x24d: {  	s31 =	simm.s32 @!p4 $0x280;
	s29 =	simm.s32 @!p1 $0xE;
	s28 =	simm.s32 @!p4 $0x0  }
0x24e: {  	[tilespmem:s31], [sflag:$0x6] =	stream.linear.gather @!p4 [hbm4b:s26+s28], $0x40, $0x38;
	[tilespmem:$0x1FB80] =	vst v63  }
0x24f: {  	_ =	swait.ge @!p1 [sflag:s29], $0x2000  }
0x250: {  	s11 =	sadd.s32 @!p0 s2, s12;
	[sflag:s29] =	ssyncset.done @!p1 $0x0  }
0x251: {  	s9 =	sadd.s32 @!p1 s25, s6;
	[sflag:s29] =	ssyncadd.s32 @!p1 $0xFFFFE000;
	s29 =	simm.s32 @!p1 $0x2  }
0x252: {  	s11 =	sadd.s32 @!p0 $0x30000, s11;
	s9 =	sadd.s32 @!p1 $0x1A0, s9;
	_ =	swait.ge @!p1 [sflag:s29], $0x40  }
0x253: {  	s26 =	simm.s32 @!p1 $0x40;
	s28 =	simm.s32 @!p1 $0x80;
	[sflag:s29] =	ssyncset.done @!p1 $0x0  }
0x254: {  	s31 =	simm.s32 @!p0 $0x7;
	[sflag:s29] =	ssyncadd.s32 @!p1 $0xFFFFFFC0;
	s29 =	simm.s32 @!p1 $0x2300  }
0x255: {  	[tilespmem:s29], [sflag:$0x8] =	stream.indirect.gather @!p1 [spmem:s3], $0x80, s28, s26, $0xb8;
	[tilespmem:$0x1FB80] =	vst v63  }
0x256: {  	s13 =	sadd.s32 $0x120, s24;
	p2 =	sgt.u32 @!p1 s9, $0x1387;
	_ =	swait.ge @!p0 [sflag:s31], $0x2000  }
0x257: {  	s9 =	sadd.s32 $0x140, s24;
	s24 =	sadd.s32 $0x100, s24;
	[sflag:s31] =	ssyncset.done @!p0 $0x0  }
0x258: {  	p3 =	por p3, p0;
	p4 =	sgt.u32 s24, $0x1387;
	[sflag:s31] =	ssyncadd.s32 @!p0 $0xFFFFE000  }
0x259: {  	[hbm4b:s11+s16] =	stream.linear.scatter @!p0 [tilespmem:s18], [sflag:$0xD], $0x2000, $0x38;
	[tilespmem:$0x1FB80] =	vst v63  }
0x25a: {  	s26 =	simm.s32 @!p3 $0x0;
	s28 =	sadd.s32 @!p3 $0xFFFFFC00, s19;
	s11 =	simm.s32 @!p4 $0xF  }
0x25b: {  	[tilespmem:s26], [sflag:$0x1] =	stream.linear.gather @!p3 [hbm4b:s28+s26], $0x40, $0x38;
	[tilespmem:$0x1FB80] =	vst v63  }
0x25c: {  	s0 =	simm.s32 @!p1 $0x8;
	_ =	swait.ge @!p4 [sflag:s11], $0x2000  }
0x25d: {  	s22 =	sadd.s32 @!p1 s2, s12;
	p2 =	por p2, p1;
	[sflag:s11] =	ssyncset.done @!p4 $0x0  }
0x25e: {  	s15 =	sadd.s32 @!p1 $0x38000, s22;
	s14 =	simm.s32 @!p4 $0x3;
	[sflag:s11] =	ssyncadd.s32 @!p4 $0xFFFFE000  }
0x25f: {  	s24 =	sadd.s32 @!p4 s2, s12;
	s31 =	sadd.s32 @!p4 s25, s6;
	_ =	swait.ge @!p4 [sflag:s14], $0x40  }
0x260: {  	s31 =	sadd.s32 @!p4 $0x1C0, s31;
	s16 =	simm.s32 @!p4 $0x4300;
	[sflag:s14] =	ssyncset.done @!p4 $0x0  }
0x261: {  	s26 =	simm.s32 @!p4 $0x100;
	s28 =	simm.s32 @!p4 $0x40;
	[sflag:s14] =	ssyncadd.s32 @!p4 $0xFFFFFFC0  }
0x262: {  	[tilespmem:s16], [sflag:$0x9] =	stream.indirect.gather @!p4 [spmem:s3], $0x80, s26, s28, $0xb8;
	[tilespmem:$0x1FB80] =	vst v63  }
0x263: {  	s18 =	sadd.s32 @!p4 $0x40000, s24;
	p0 =	sgt.u32 @!p4 s31, $0x1387;
	_ =	swait.ge @!p1 [sflag:s0], $0x2000  }
0x264: {  	s24 =	simm.s32 @!p2 $0x0;
	p6 =	por p0, p4;
	[sflag:s0] =	ssyncset.done @!p1 $0x0  }
0x265: {  	p0 =	sgt.u32 s13, $0x1387;
	s11 =	simm.s32 @!p1 $0x0;
	[sflag:s0] =	ssyncadd.s32 @!p1 $0xFFFFE000  }
0x266: {  	[hbm4b:s15+s11] =	stream.linear.scatter @!p1 [tilespmem:s29], [sflag:$0xE], $0x2000, $0x38;
	[tilespmem:$0x1FB80] =	vst v63  }
0x267: {  	s13 =	simm.s32 @!p2 $0x80;
	s0 =	sadd.s32 @!p2 $0xFFFFFD00, s19;
	s15 =	simm.s32 @!p0 $0x10  }
0x268: {  	[tilespmem:s13], [sflag:$0x2] =	stream.linear.gather @!p2 [hbm4b:s0+s24], $0x40, $0x38;
	[tilespmem:$0x1FB80] =	vst v63  }
0x269: {  	_ =	swait.ge @!p0 [sflag:s15], $0x2000  }
0x26a: {  	s14 =	sadd.s32 @!p0 s25, s6;
	[sflag:s15] =	ssyncset.done @!p0 $0x0  }
0x26b: {  	s14 =	sadd.s32 @!p0 $0x1E0, s14;
	s0 =	simm.s32 @!p0 $0x4;
	[sflag:s15] =	ssyncadd.s32 @!p0 $0xFFFFE000  }
0x26c: {  	p1 =	sgt.u32 @!p0 s14, $0x1387;
	_ =	swait.ge @!p0 [sflag:s0], $0x40  }
0x26d: {  	s14 =	simm.s32 @!p0 $0x6300;
	s13 =	simm.s32 @!p0 $0x40;
	[sflag:s0] =	ssyncset.done @!p0 $0x0  }
0x26e: {  	s15 =	simm.s32 @!p0 $0x180;
	[sflag:s0] =	ssyncadd.s32 @!p0 $0xFFFFFFC0;
	s0 =	simm.s32 @!p4 $0x9  }
0x26f: {  	[tilespmem:s14], [sflag:$0xA] =	stream.indirect.gather @!p0 [spmem:s3], $0x80, s15, s13, $0xb8;
	[tilespmem:$0x1FB80] =	vst v63  }
0x270: {  	p5 =	sne.s32 s20, $0x1380;
	_ =	swait.ge @!p4 [sflag:s0], $0x2000  }
0x271: {  	p3 =	por p1, p0;
	p1 =	sgt.u32 s9, $0x1387;
	[sflag:s0] =	ssyncset.done @!p4 $0x0  }
0x272: {  	s9 =	sadd.s32 @!p6 $0xFFFFFE00, s19;
	s24 =	simm.s32 @!p4 $0x0;
	[sflag:s0] =	ssyncadd.s32 @!p4 $0xFFFFE000  }
0x273: {  	[hbm4b:s18+s24] =	stream.linear.scatter @!p4 [tilespmem:s16], [sflag:$0xF], $0x2000, $0x38;
	[tilespmem:$0x1FB80] =	vst v63  }
0x274: {  	s13 =	simm.s32 @!p6 $0x0;
	s15 =	simm.s32 @!p1 $0x11;
	s0 =	simm.s32 @!p6 $0x100  }
0x275: {  	[tilespmem:s0], [sflag:$0x3] =	stream.linear.gather @!p6 [hbm4b:s9+s13], $0x40, $0x38;
	[tilespmem:$0x1FB80] =	vst v63  }
0x276: {  	s22 =	smov.u32 s19;
	s11 =	sadd.s32 @!p0 s2, s12;
	_ =	swait.ge @!p1 [sflag:s15], $0x2000  }
0x277: {  	s16 =	simm.s32 @!p1 $0x200;
	s0 =	sadd.s32 @!p1 s2, s12;
	[sflag:s15] =	ssyncset.done @!p1 $0x0  }
0x278: {  	s9 =	sadd.s32 @!p1 s25, s6;
	[sflag:s15] =	ssyncadd.s32 @!p1 $0xFFFFE000;
	s15 =	simm.s32 @!p1 $0x5  }
0x279: {  	s13 =	sadd.s32 @!p1 $0x50000, s0;
	s0 =	sadd.s32 @!p1 $0x200, s9;
	_ =	swait.ge @!p1 [sflag:s15], $0x40  }
0x27a: {  	s9 =	simm.s32 @!p1 $0x8300;
	p2 =	sgt.u32 @!p1 s0, $0x1387;
	[sflag:s15] =	ssyncset.done @!p1 $0x0  }
0x27b: {  	s0 =	simm.s32 @!p0 $0xA;
	[sflag:s15] =	ssyncadd.s32 @!p1 $0xFFFFFFC0;
	s15 =	simm.s32 @!p1 $0x40  }
0x27c: {  	[tilespmem:s9], [sflag:$0xB] =	stream.indirect.gather @!p1 [spmem:s3], $0x80, s16, s15, $0xb8;
	[tilespmem:$0x1FB80] =	vst v63  }
0x27d: {  	s11 =	sadd.s32 @!p0 $0x48000, s11;
	p2 =	por p2, p1;
	_ =	swait.ge @!p0 [sflag:s0], $0x2000  }
.Ltmp6:
0x27e: {  	s16 =	simm.s32 @!p3 $0x180;
	[sflag:s0] =	ssyncset.done @!p0 $0x0;
	(pc) =	sbr.rel @p5 .LBB2_9-.Ltmp6, $4  }
0x27f: {  	s31 =	rddreg [dreg:$0x6];
	[sflag:s0] =	ssyncadd.s32 @!p0 $0xFFFFE000;
	s0 =	simm.s32 @!p0 $0x0  }
0x280: {  	[hbm4b:s11+s0] =	stream.linear.scatter @!p0 [tilespmem:s14], [sflag:$0x10], $0x2000, $0x38;
	[tilespmem:$0x1FB80] =	vst v63  }
0x281: {  	p4 =	sge.u32 s20, s31;
	s0 =	sadd.s32 @!p3 $0xFFFFFF00, s19;
	s11 =	simm.s32 @!p3 $0x0  }
0x282: {  	[tilespmem:s16], [sflag:$0x4] =	stream.linear.gather @!p3 [hbm4b:s0+s11], $0x40, $0x38;
	[tilespmem:$0x1FB80] =	vst v63  }
0x283: {  	s0 =	simm.s32 @!p4 $0x12  }
0x284: {  	_ =	swait.ge @!p4 [sflag:s0], $0x2000  }
0x285: {  	[sflag:s0] =	ssyncset.done @!p4 $0x0  }
0x286: {  	s2 =	simm.s32 @!p4 $0x6;
	[sflag:s0] =	ssyncadd.s32 @!p4 $0xFFFFE000  }
0x287: {  	_ =	swait.ge @!p4 [sflag:s2], $0x40  }
0x288: {  	s11 =	simm.s32 @!p4 $0x280;
	s14 =	simm.s32 @!p4 $0x40;
	[sflag:s2] =	ssyncset.done @!p4 $0x0  }
0x289: {  	s15 =	simm.s32 @!p1 $0xB;
	s0 =	simm.s32 @!p4 $0xA300;
	[sflag:s2] =	ssyncadd.s32 @!p4 $0xFFFFFFC0  }
0x28a: {  	[tilespmem:s0], [sflag:$0xC] =	stream.indirect.gather @!p4 [spmem:s3], $0x80, s11, s14, $0xb8;
	[tilespmem:$0x1FB80] =	vst v63  }
0x28b: {  	_ =	swait.ge @!p1 [sflag:s15], $0x2000  }
0x28c: {  	[sflag:s15] =	ssyncset.done @!p1 $0x0  }
0x28d: {  	s0 =	simm.s32 @!p1 $0x0;
	[sflag:s15] =	ssyncadd.s32 @!p1 $0xFFFFE000  }
0x28e: {  	[hbm4b:s13+s0] =	stream.linear.scatter @!p1 [tilespmem:s9], [sflag:$0x11], $0x2000, $0x38;
	[tilespmem:$0x1FB80] =	vst v63  }
0x28f: {  	s26 =	simm.s32 $0xD;
	s2 =	simm.s32 @!p2 $0x0;
	s0 =	simm.s32 @!p2 $0x200  }
0x290: {  	[tilespmem:s0], [sflag:$0x5] =	stream.linear.gather @!p2 [hbm4b:s22+s2], $0x40, $0x38;
	[tilespmem:$0x1FB80] =	vst v63  }
0x291: {  	_ =	swait.ge [sflag:s26], $0x2000  }
0x292: {  	[sflag:s26] =	ssyncset.done $0x0  }
0x293: {  	s28 =	simm.s32 $0xE;
	[sflag:s26] =	ssyncadd.s32 $0xFFFFE000  }
0x294: {  	_ =	swait.ge [sflag:s28], $0x2000  }
0x295: {  	[sflag:s28] =	ssyncset.done $0x0  }
0x296: {  	s29 =	simm.s32 $0xF;
	[sflag:s28] =	ssyncadd.s32 $0xFFFFE000  }
0x297: {  	_ =	swait.ge [sflag:s29], $0x2000  }
0x298: {  	[sflag:s29] =	ssyncset.done $0x0  }
0x299: {  	[sflag:s29] =	ssyncadd.s32 $0xFFFFE000  }
0x29a: {  	_ =	swait.ge [sflag:s17], $0x2000  }
0x29b: {  	[sflag:s17] =	ssyncset.done $0x0  }
0x29c: {  	[sflag:s17] =	ssyncadd.s32 $0xFFFFE000  }
0x29d: {  	_ =	swait.ge [sflag:s8], $0x2000  }
0x29e: {  	[sflag:s8] =	ssyncset.done $0x0  }
0x29f: {  	[sflag:s8] =	ssyncadd.s32 $0xFFFFE000  }
0x2a0: {  	_ =	swait.ge [sflag:s7], $0x2000  }
0x2a1: {  	s5 =	sadd.s32 $0x1, s5;
	s31 =	rddreg [dreg:$0x11]  }
0x2a2: {  	p0 =	sne.s32 s5, s31  }
.Ltmp7:
0x2a3: {  	_ = 	snop;
	(pc) =	sbr.rel @p0 .LBB2_1-.Ltmp7, $3  }
0x2a4: {  	_ =	sdelay $0x1  }
0x2a5: {  	[sflag:s7] =	ssyncset.done $0x0  }
0x2a6: {  	s19 =	stileid.u32;
	[sflag:s7] =	ssyncadd.s32 $0xFFFFE000  }
0x2a7: {  	_ =	sfence.sel $0x180000  }
0x2a8: {  	[bflag:$0x0] =	sbarrier.arrive $0xFFFF  }
0x2a9: {  	_ =	strace $0x90000047  }
0x2aa: {  	[bflag:$0x2] =	sbarrier.arrive $0xFFFF  }
0x2ab: {  	s1 =	sld [smem:$0x7CA];
	_ =	sdelay $0x2  }
0x2ac: {  	s0 =	rddreg [dreg:$0x4];
	p0 =	seq.s32 s1, $0x1  }
0x2ad: {  	s0 =	sadd.s32 @!p0 $0x100000, s0  }
0x2ae: {  	[sflag:s0] =	ssyncadd.tile.s32 @!p0 $0x1;
	_ =	shalt  }
.Lfunc_end2:
_tile_overlayer_lowered:
.L_overlay_start_2:
0x2af: {  	(tag) =	ssettag $0x2  }
0x2b0: {  	s0 =	rddreg [dreg:$0x0];
	s2 =	stileid.u32  }
0x2b1: {  	s1 =	rddreg [dreg:$0x1];
	p0 =	sne.s32 s2, $0x0  }
0x2b2: {  	s3 =	rddreg [dreg:$0x2];
	[bflag:$0x3] =	sbarrier.arrive $0xFFFF;
	s2 =	simm.s32 @!p0 $0x1C14  }
0x2b3: {  	[timem:s3], [sflag:s2] =	dma.local @!p0 [hbm:s0], s1  }
0x2b4: {  	s0 =	simm.s32 @!p0 $0x14  }
0x2b5: {  	_ =	swait.ge @!p0 [sflag:s0], s1  }
0x2b6: {  	s1 =	ssub.s32 @!p0 $0x0, s1;
	[sflag:s0] =	ssyncset.done @!p0 $0x0  }
0x2b7: {  	[sflag:s0] =	ssyncadd.s32 @!p0 s1  }
0x2b8: {  	[bflag:$0x3] =	sbarrier.arrive $0xFFFF  }
0x2b9: {  	_ =	shalt  }

</sc_bundles>
